<compile_context>
chip_gen: v7x
topology: tpu7x:2x2x1
jax: 0.10.2.dev20260603
libtpu: 0.0.44.dev20260713+nightly
codegen_flags: <defaults>
</compile_context>

<pallas_src>
import functools

import jax
import jax.numpy as jnp
from jax import lax
from jax.experimental import pallas as pl
from jax.experimental.pallas import tpu as pltpu
from jax.experimental.pallas import tpu_sc as plsc

_DATA_LEN = 1000000
_BATCH = 16384
_GAMMA = 0.9
_TAU = 0.1

_NC = 2
_NS = 16
_L = 16
_NW = _NC * _NS
_CHUNK = _BATCH // _NW
_SLICE = 62504
_TAB = _NS * _SLICE
_NSCAN = _BATCH // _L
_NCH = _CHUNK // _L
_NSUM = 10

_LN2 = 0.6931471805599453
_SQRT2 = 1.4142135623730951


def _ln(v):
    bits = plsc.bitcast(v, jnp.int32)
    e = lax.shift_right_logical(bits, 23) - 127
    m = plsc.bitcast(
        jnp.bitwise_or(jnp.bitwise_and(bits, 0x007FFFFF), 0x3F800000), jnp.float32)
    big = m > _SQRT2
    m = jnp.where(big, 0.5 * m, m)
    e = jnp.where(big, e + 1, e)
    t = (m - 1.0) / (m + 1.0)
    u = t * t
    poly = t * (2.0 + u * (2.0 / 3.0 + u * (2.0 / 5.0 + u * (2.0 / 7.0 + u * (2.0 / 9.0)))))
    return e.astype(jnp.float32) * _LN2 + poly


def _sc_body(yp_hbm, s_hbm, yt_hbm, idx_hbm, out_hbm, tab_hbm,
             idx_full, yp_full, table,
             idxc, idxo, ywc, svc, ypc, ytc, accs, sem):
    cid = lax.axis_index("c")
    sid = lax.axis_index("s")
    wid = sid * _NC + cid
    base_i = sid * _SLICE
    base_p = wid * _CHUNK

    c_idx = pltpu.async_copy(idx_hbm, idx_full, sem)
    c_yp = pltpu.async_copy(yp_hbm, yp_full, sem)
    c_i2 = pltpu.async_copy(idx_hbm.at[pl.ds(base_p, _CHUNK)], idxc, sem)
    c_ypc = pltpu.async_copy(yp_hbm.at[pl.ds(base_p, _CHUNK)], ypc, sem)
    c_ytc = pltpu.async_copy(yt_hbm.at[pl.ds(base_p, _CHUNK)], ytc, sem)
    c_idx.wait()
    c_yp.wait()

    def scan_step(i, carry):
        off = i * _L
        iv = idx_full[pl.ds(off, _L)]
        yv = yp_full[pl.ds(off, _L)]
        loc = iv - base_i
        m = jnp.logical_and(iv >= base_i, iv < base_i + _SLICE)
        plsc.store_scatter(table, [loc], _GAMMA * yv, mask=m)
        return carry

    lax.fori_loop(0, _NSCAN, scan_step, 0)

    pltpu.sync_copy(table, tab_hbm.at[pl.ds(cid * _TAB + base_i, _SLICE)])
    plsc.subcore_barrier()

    c_i2.wait()
    c_ypc.wait()
    c_ytc.wait()

    tab_off = cid * _TAB

    def off_step(i, carry):
        o = i * _L
        idxo[pl.ds(o, _L)] = idxc[pl.ds(o, _L)] + tab_off
        return carry

    lax.fori_loop(0, _NCH, off_step, 0)

    gathers = []
    for j in range(_CHUNK // 128):
        isl = idxc.at[pl.ds(j * 128, 128)]
        osl = idxo.at[pl.ds(j * 128, 128)]
        gathers.append(pltpu.async_copy(
            tab_hbm.at[osl], ywc.at[pl.ds(j * 128, 128)], sem))
        gathers.append(pltpu.async_copy(
            s_hbm.at[isl], svc.at[pl.ds(j * 128, 128)], sem))
    for g in gathers:
        g.wait()

    zero = jnp.zeros((_L,), jnp.float32)

    def chunk_step(i, acc):
        anp, ann, s1p, s1n, s2p, s2n, s3p, s3n, slp, sln = acc
        off = i * _L
        ypv = ypc[pl.ds(off, _L)]
        ytv = ytc[pl.ds(off, _L)]
        ywv = ywc[pl.ds(off, _L)]
        svv = svc[pl.ds(off, _L)]
        vs = (1.0 - _GAMMA) * svv + ywv
        logs = _TAU * _ln(vs)
        gw = ypv / vs
        mp = jnp.where(ytv == 1, 1.0, 0.0)
        mn = jnp.where(ytv == 0, 1.0, 0.0)
        lg = logs * gw
        l2 = logs * logs
        return (anp + mp, ann + mn, s1p + mp * lg, s1n + mn * lg,
                s2p + mp * gw, s2n + mn * gw, s3p + mp * l2, s3n + mn * l2,
                slp + mp * logs, sln + mn * logs)

    accf = lax.fori_loop(0, _NCH, chunk_step, (zero,) * _NSUM)
    for k in range(_NSUM):
        accs[pl.ds(k * _L, _L)] = accf[k]
    for k in range(_NSUM):
        pltpu.sync_copy(accs.at[pl.ds(k * _L, _L)],
                        out_hbm.at[k, pl.ds(wid * _L, _L)])


def _combine_body(p_ref, a_ref, b_ref, al_ref, o_ref):
    rs = jnp.sum(p_ref[...], axis=1, keepdims=True)
    np_ = rs[0:1, :]
    nn_ = rs[1:2, :]
    s1p = rs[2:3, :]
    s1n = rs[3:4, :]
    s2p = rs[4:5, :]
    s2n = rs[5:6, :]
    s3p = rs[6:7, :]
    s3n = rs[7:8, :]
    slp = rs[8:9, :]
    sln = rs[9:10, :]
    a = a_ref[...].reshape(1, 1)
    b = b_ref[...].reshape(1, 1)
    al = al_ref[...].reshape(1, 1)
    loss = (2.0 * _TAU * (s1p - a * s2p) / np_
            + 2.0 * _TAU * (s1n - b * s2n) / nn_
            + al * _TAU * (s2n / nn_ - s2p / np_)
            + (s3p - 2.0 * a * slp + a * a * np_) / np_
            + (s3n - 2.0 * b * sln + b * b * nn_) / nn_)
    o_ref[...] = loss


def kernel(y_pred, s, a, b, alpha, y_true, index):
    yp1 = jnp.reshape(y_pred, (_BATCH,))
    s1 = jnp.reshape(s, (_DATA_LEN,))
    yt1 = jnp.reshape(y_true, (_BATCH,))
    idx1 = jnp.reshape(index, (_BATCH,))

    mesh = plsc.VectorSubcoreMesh(
        core_axis_name="c", subcore_axis_name="s", num_cores=_NC, num_subcores=_NS)
    partials, _ = pl.kernel(
        _sc_body,
        out_type=(jax.ShapeDtypeStruct((_NSUM, _NW * _L), jnp.float32),
                  jax.ShapeDtypeStruct((_NC * _TAB,), jnp.float32)),
        mesh=mesh,
        compiler_params=pltpu.CompilerParams(needs_layout_passes=False),
        scratch_types=[
            pltpu.VMEM((_BATCH,), jnp.int32),
            pltpu.VMEM((_BATCH,), jnp.float32),
            pltpu.VMEM((_SLICE,), jnp.float32),
            pltpu.VMEM((_CHUNK,), jnp.int32),
            pltpu.VMEM((_CHUNK,), jnp.int32),
            pltpu.VMEM((_CHUNK,), jnp.float32),
            pltpu.VMEM((_CHUNK,), jnp.float32),
            pltpu.VMEM((_CHUNK,), jnp.float32),
            pltpu.VMEM((_CHUNK,), jnp.int32),
            pltpu.VMEM((_NSUM * _L,), jnp.float32),
            pltpu.SemaphoreType.DMA,
        ],
    )(yp1, s1, yt1, idx1)

    loss = pl.pallas_call(
        _combine_body,
        out_shape=jax.ShapeDtypeStruct((1, 1), jnp.float32),
    )(partials, a, b, alpha)
    return jnp.reshape(loss, (1,))

# --- scband reference (transcript-rebuilt; emitter-appended) ---
"""Pipeline reference for scband-midam-softmax-pooling-loss-549755813905 (READ-ONLY COPY).

The authoritative reference and input builder live on the scoring server;
editing this copy changes nothing except your own understanding.
"""

import jax, jax.numpy as jnp
import numpy as np

DATA_LEN = 1000000
BATCH = 16384
GAMMA = 0.9
TAU = 0.1


def setup_inputs(seed: int = 0) -> dict:
    key = jax.random.key(seed)
    k1, k2, k3 = jax.random.split(key, 3)
    # y_pred plays the role of `exps` (exponentiated prediction scores), strictly positive
    y_pred = jax.random.uniform(k1, (BATCH, 1), dtype=jnp.float32) + 0.01
    y_true = jax.random.randint(k2, (BATCH,), 0, 2, dtype=jnp.int32)
    index = jax.random.randint(k3, (BATCH,), 0, DATA_LEN, dtype=jnp.int32)
    # stateful buffers / parameters of the loss module
    s = jnp.zeros((DATA_LEN, 1), dtype=jnp.float32)
    a = jnp.zeros((1,), dtype=jnp.float32)
    b = jnp.zeros((1,), dtype=jnp.float32)
    alpha = jnp.zeros((1,), dtype=jnp.float32)
    return {"y_pred": y_pred, "s": s, "a": a, "b": b, "alpha": alpha, "y_true": y_true, "index": index}


def reference(y_pred, s, a, b, alpha, y_true, index):
    y_pred = jnp.reshape(y_pred, (-1, 1))
    y_true = jnp.reshape(y_true, (-1, 1))
    index = jnp.reshape(index, (-1,))
    # moving-average scatter update of the s buffer (y_pred is detached in torch)
    yp_det = jax.lax.stop_gradient(y_pred)
    s_new = s.at[index].set((1.0 - GAMMA) * s[index] + GAMMA * yp_det)
    # gather updated values; s is a non-differentiable buffer in torch
    vs = jax.lax.stop_gradient(s_new[index])
    mask_p = (y_true == 1).astype(jnp.float32)
    mask_n = (y_true == 0).astype(jnp.float32)
    n_p = jnp.sum(mask_p)
    n_n = jnp.sum(mask_n)
    logs = TAU * jnp.log(vs)
    gw_ins = y_pred / vs
    a_det = jax.lax.stop_gradient(a)
    b_det = jax.lax.stop_gradient(b)
    alpha_det = jax.lax.stop_gradient(alpha)
    gw_p = jnp.sum(mask_p * (2.0 * TAU * (logs - a_det) * gw_ins)) / n_p
    gw_n = jnp.sum(mask_n * (2.0 * TAU * (logs - b_det) * gw_ins)) / n_n
    mean_ins_p = jnp.sum(mask_p * gw_ins) / n_p
    mean_ins_n = jnp.sum(mask_n * gw_ins) / n_n
    gw_s = alpha_det * TAU * (mean_ins_n - mean_ins_p)
    ga = jnp.sum(mask_p * (logs - a) ** 2) / n_p
    gb = jnp.sum(mask_n * (logs - b) ** 2) / n_n
    loss = gw_p + gw_n + gw_s + ga + gb
    return loss

if __name__ == "__main__":
    import jax
    _d = setup_inputs()
    print(jax.jit(kernel)(*tuple(_d.values())))

</pallas_src>

<mosaic_0001>
#map = affine_map<(d0, d1) -> (0)>
#map1 = affine_map<(d0, d1) -> (0, 0)>
module attributes {stable_mosaic.version = 14 : i64} {
  func.func @_sc_body(%arg0: i32, %arg1: i32, %arg2: memref<16384xf32, #tpu.memory_space<hbm>>, %arg3: memref<1000000xf32, #tpu.memory_space<hbm>>, %arg4: memref<16384xi32, #tpu.memory_space<hbm>>, %arg5: memref<16384xi32, #tpu.memory_space<hbm>>, %arg6: memref<10x512xf32, #tpu.memory_space<hbm>>, %arg7: memref<2000128xf32, #tpu.memory_space<hbm>>, %arg8: memref<16384xi32, #tpu.memory_space<vmem>>, %arg9: memref<16384xf32, #tpu.memory_space<vmem>>, %arg10: memref<62504xf32, #tpu.memory_space<vmem>>, %arg11: memref<512xi32, #tpu.memory_space<vmem>>, %arg12: memref<512xi32, #tpu.memory_space<vmem>>, %arg13: memref<512xf32, #tpu.memory_space<vmem>>, %arg14: memref<512xf32, #tpu.memory_space<vmem>>, %arg15: memref<512xf32, #tpu.memory_space<vmem>>, %arg16: memref<512xi32, #tpu.memory_space<vmem>>, %arg17: memref<160xf32, #tpu.memory_space<vmem>>, %arg18: memref<!tpu.dma_semaphore, #tpu.memory_space<semaphore_mem>>) attributes {dimension_semantics = [#tpu.dimension_semantics<core_parallel>, #tpu.dimension_semantics<subcore_parallel>], iteration_bounds = array<i64: 2, 16>, scalar_prefetch = 0 : i64, scratch_operands = 11 : i64, tpu.core_type = #tpu.core_type<sc_vector_subcore>, window_params = [{transform_indices = #map}, {transform_indices = #map}, {transform_indices = #map}, {transform_indices = #map}, {transform_indices = #map1}, {transform_indices = #map}]} {
    %mul3A = arith.constant 2 : i32
    %mul3A_0 = arith.muli %arg1, %mul3A : i32
    %add3A = arith.addi %mul3A_0, %arg0 : i32
    %mul3A_1 = arith.constant 62504 : i32
    %mul3A_2 = arith.muli %arg1, %mul3A_1 : i32
    %mul3A_3 = arith.constant 512 : i32
    %mul3A_4 = arith.muli %add3A, %mul3A_3 : i32
    tpu.enqueue_dma source(%arg5 : memref<16384xi32, #tpu.memory_space<hbm>>) target(%arg8 : memref<16384xi32, #tpu.memory_space<vmem>>) target_semaphore(%arg18 : memref<!tpu.dma_semaphore, #tpu.memory_space<semaphore_mem>>)
    tpu.enqueue_dma source(%arg2 : memref<16384xf32, #tpu.memory_space<hbm>>) target(%arg9 : memref<16384xf32, #tpu.memory_space<vmem>>) target_semaphore(%arg18 : memref<!tpu.dma_semaphore, #tpu.memory_space<semaphore_mem>>)
    %dma_start3A = tpu.memref_slice %arg5[%mul3A_4] : memref<16384xi32, #tpu.memory_space<hbm>> -> memref<512xi32, #tpu.memory_space<hbm>>
    %dma_start3A_5 = tpu.memref_slice %arg5[%mul3A_4] : memref<16384xi32, #tpu.memory_space<hbm>> -> memref<512xi32, #tpu.memory_space<hbm>>
    tpu.enqueue_dma source(%dma_start3A_5 : memref<512xi32, #tpu.memory_space<hbm>>) target(%arg11 : memref<512xi32, #tpu.memory_space<vmem>>) target_semaphore(%arg18 : memref<!tpu.dma_semaphore, #tpu.memory_space<semaphore_mem>>)
    %dma_start3A_6 = tpu.memref_slice %arg2[%mul3A_4] : memref<16384xf32, #tpu.memory_space<hbm>> -> memref<512xf32, #tpu.memory_space<hbm>>
    %dma_start3A_7 = tpu.memref_slice %arg2[%mul3A_4] : memref<16384xf32, #tpu.memory_space<hbm>> -> memref<512xf32, #tpu.memory_space<hbm>>
    tpu.enqueue_dma source(%dma_start3A_7 : memref<512xf32, #tpu.memory_space<hbm>>) target(%arg15 : memref<512xf32, #tpu.memory_space<vmem>>) target_semaphore(%arg18 : memref<!tpu.dma_semaphore, #tpu.memory_space<semaphore_mem>>)
    %dma_start3A_8 = tpu.memref_slice %arg4[%mul3A_4] : memref<16384xi32, #tpu.memory_space<hbm>> -> memref<512xi32, #tpu.memory_space<hbm>>
    %dma_start3A_9 = tpu.memref_slice %arg4[%mul3A_4] : memref<16384xi32, #tpu.memory_space<hbm>> -> memref<512xi32, #tpu.memory_space<hbm>>
    tpu.enqueue_dma source(%dma_start3A_9 : memref<512xi32, #tpu.memory_space<hbm>>) target(%arg16 : memref<512xi32, #tpu.memory_space<vmem>>) target_semaphore(%arg18 : memref<!tpu.dma_semaphore, #tpu.memory_space<semaphore_mem>>)
    tpu.wait_dma2 semaphore(%arg18 : memref<!tpu.dma_semaphore, #tpu.memory_space<semaphore_mem>>) src(%arg5 : memref<16384xi32, #tpu.memory_space<hbm>>) dst(%arg8 : memref<16384xi32, #tpu.memory_space<vmem>>)
    tpu.wait_dma2 semaphore(%arg18 : memref<!tpu.dma_semaphore, #tpu.memory_space<semaphore_mem>>) src(%arg2 : memref<16384xf32, #tpu.memory_space<hbm>>) dst(%arg9 : memref<16384xf32, #tpu.memory_space<vmem>>)
    %scan3A = arith.constant 0 : i32
    %scan3A_10 = arith.constant 0 : i32
    %scan3A_11 = arith.constant 1024 : i32
    %scan3A_12 = arith.addi %scan3A_10, %scan3A_11 : i32
    %scan3A_13 = arith.constant 1 : i32
    scf.for %scan3A_182 = %scan3A_10 to %scan3A_12 step %scan3A_13  : i32 {
      %mul3A_183 = arith.constant 16 : i32
      %mul3A_184 = arith.muli %scan3A_182, %mul3A_183 : i32
      %get3A = arith.index_cast %mul3A_184 : i32 to index
      %get3A_185 = tpu.vector_load %arg8[%get3A] {strides = array<i32>} : memref<16384xi32, #tpu.memory_space<vmem>>, vector<16xi32>,
      %get3A_186 = arith.index_cast %mul3A_184 : i32 to index
      %get3A_187 = tpu.vector_load %arg9[%get3A_186] {strides = array<i32>} : memref<16384xf32, #tpu.memory_space<vmem>>, vector<16xf32>,
      %sub3A = vector.broadcast %mul3A_2 : i32 to vector<16xi32>
      %sub3A_188 = arith.subi %get3A_185, %sub3A : vector<16xi32>
      %ge3A = vector.broadcast %mul3A_2 : i32 to vector<16xi32>
      %ge3A_189 = arith.cmpi sge, %get3A_185, %ge3A : vector<16xi32>
      %add3A_190 = arith.constant 62504 : i32
      %add3A_191 = arith.addi %mul3A_2, %add3A_190 : i32
      %lt3A = vector.broadcast %add3A_191 : i32 to vector<16xi32>
      %lt3A_192 = arith.cmpi slt, %get3A_185, %lt3A : vector<16xi32>
      %and3A = arith.andi %ge3A_189, %lt3A_192 : vector<16xi1>
      %mul3A_193 = arith.constant 0.899999976 : f32
      %mul3A_194 = vector.broadcast %mul3A_193 : f32 to vector<16xf32>
      %mul3A_195 = arith.mulf %mul3A_194, %get3A_187 : vector<16xf32>
      tpu.vector_store_idx %arg10[%sub3A_188], %mul3A_195 masked %and3A : memref<62504xf32, #tpu.memory_space<vmem>>[vector<16xi32>], vector<16xf32>, vector<16xi1>
    }
    %scan3A_14 = arith.constant 1024 : i32
    %mul3A_15 = arith.constant 1000064 : i32
    %mul3A_16 = arith.muli %arg0, %mul3A_15 : i32
    %add3A_17 = arith.addi %mul3A_16, %mul3A_2 : i32
    "tpu.region"() ({
      %run_scoped3A_182 = tpu.sem_alloc : memref<!tpu.dma_semaphore, #tpu.memory_space<semaphore_mem>>
      %dma_start3A_183 = tpu.memref_slice %arg7[%add3A_17] : memref<2000128xf32, #tpu.memory_space<hbm>> -> memref<62504xf32, #tpu.memory_space<hbm>>
      %dma_start3A_184 = tpu.memref_slice %arg7[%add3A_17] : memref<2000128xf32, #tpu.memory_space<hbm>> -> memref<62504xf32, #tpu.memory_space<hbm>>
      tpu.enqueue_dma source(%arg10 : memref<62504xf32, #tpu.memory_space<vmem>>) target(%dma_start3A_184 : memref<62504xf32, #tpu.memory_space<hbm>>) target_semaphore(%run_scoped3A_182 : memref<!tpu.dma_semaphore, #tpu.memory_space<semaphore_mem>>)
      %dma_wait3A_185 = tpu.memref_slice %arg7[%add3A_17] : memref<2000128xf32, #tpu.memory_space<hbm>> -> memref<62504xf32, #tpu.memory_space<hbm>>
      %dma_wait3A_186 = tpu.memref_slice %arg7[%add3A_17] : memref<2000128xf32, #tpu.memory_space<hbm>> -> memref<62504xf32, #tpu.memory_space<hbm>>
      tpu.wait_dma2 semaphore(%run_scoped3A_182 : memref<!tpu.dma_semaphore, #tpu.memory_space<semaphore_mem>>) src(%arg10 : memref<62504xf32, #tpu.memory_space<vmem>>) dst(%dma_wait3A_186 : memref<62504xf32, #tpu.memory_space<hbm>>)
      tpu.yield
    }) : () -> ()
    %barrier3A = arith.constant 0 : index
    tpu.barrier barrier_id(%barrier3A)
    %dma_wait3A = tpu.memref_slice %arg5[%mul3A_4] : memref<16384xi32, #tpu.memory_space<hbm>> -> memref<512xi32, #tpu.memory_space<hbm>>
    %dma_wait3A_18 = tpu.memref_slice %arg5[%mul3A_4] : memref<16384xi32, #tpu.memory_space<hbm>> -> memref<512xi32, #tpu.memory_space<hbm>>
    tpu.wait_dma2 semaphore(%arg18 : memref<!tpu.dma_semaphore, #tpu.memory_space<semaphore_mem>>) src(%dma_wait3A_18 : memref<512xi32, #tpu.memory_space<hbm>>) dst(%arg11 : memref<512xi32, #tpu.memory_space<vmem>>)
    %dma_wait3A_19 = tpu.memref_slice %arg2[%mul3A_4] : memref<16384xf32, #tpu.memory_space<hbm>> -> memref<512xf32, #tpu.memory_space<hbm>>
    %dma_wait3A_20 = tpu.memref_slice %arg2[%mul3A_4] : memref<16384xf32, #tpu.memory_space<hbm>> -> memref<512xf32, #tpu.memory_space<hbm>>
    tpu.wait_dma2 semaphore(%arg18 : memref<!tpu.dma_semaphore, #tpu.memory_space<semaphore_mem>>) src(%dma_wait3A_20 : memref<512xf32, #tpu.memory_space<hbm>>) dst(%arg15 : memref<512xf32, #tpu.memory_space<vmem>>)
    %dma_wait3A_21 = tpu.memref_slice %arg4[%mul3A_4] : memref<16384xi32, #tpu.memory_space<hbm>> -> memref<512xi32, #tpu.memory_space<hbm>>
    %dma_wait3A_22 = tpu.memref_slice %arg4[%mul3A_4] : memref<16384xi32, #tpu.memory_space<hbm>> -> memref<512xi32, #tpu.memory_space<hbm>>
    tpu.wait_dma2 semaphore(%arg18 : memref<!tpu.dma_semaphore, #tpu.memory_space<semaphore_mem>>) src(%dma_wait3A_22 : memref<512xi32, #tpu.memory_space<hbm>>) dst(%arg16 : memref<512xi32, #tpu.memory_space<vmem>>)
    %mul3A_23 = arith.constant 1000064 : i32
    %mul3A_24 = arith.muli %arg0, %mul3A_23 : i32
    %scan3A_25 = arith.constant 0 : i32
    %scan3A_26 = arith.constant 0 : i32
    %scan3A_27 = arith.constant 32 : i32
    %scan3A_28 = arith.addi %scan3A_26, %scan3A_27 : i32
    %scan3A_29 = arith.constant 1 : i32
    scf.for %scan3A_182 = %scan3A_26 to %scan3A_28 step %scan3A_29  : i32 {
      %mul3A_183 = arith.constant 16 : i32
      %mul3A_184 = arith.muli %scan3A_182, %mul3A_183 : i32
      %get3A = arith.index_cast %mul3A_184 : i32 to index
      %get3A_185 = tpu.vector_load %arg11[%get3A] {strides = array<i32>} : memref<512xi32, #tpu.memory_space<vmem>>, vector<16xi32>,
      %add3A_186 = vector.broadcast %mul3A_24 : i32 to vector<16xi32>
      %add3A_187 = arith.addi %get3A_185, %add3A_186 : vector<16xi32>
      %swap3A_188 = arith.index_cast %mul3A_184 : i32 to index
      %swap3A_189 = tpu.vector_load %arg12[%swap3A_188] {strides = array<i32>} : memref<512xi32, #tpu.memory_space<vmem>>, vector<16xi32>,
      tpu.vector_store %arg12[%swap3A_188], %add3A_187 {strides = array<i32>} : memref<512xi32, #tpu.memory_space<vmem>>, vector<16xi32>,
    }
    %scan3A_30 = arith.constant 32 : i32
    %dma_start3A_31 = arith.constant 0 : i32
    %dma_start3A_32 = tpu.memref_slice %arg13[%dma_start3A_31] : memref<512xf32, #tpu.memory_space<vmem>> -> memref<128xf32, #tpu.memory_space<vmem>>
    %dma_start3A_33 = arith.constant 0 : i32
    %dma_start3A_34 = tpu.memref_slice %arg12[%dma_start3A_33] : memref<512xi32, #tpu.memory_space<vmem>> -> memref<128xi32, #tpu.memory_space<vmem>>
    %dma_start3A_35 = arith.constant 0 : i32
    %dma_start3A_36 = tpu.memref_slice %arg7[%dma_start3A_35] : memref<2000128xf32, #tpu.memory_space<hbm>> -> memref<2000128xf32, #tpu.memory_space<hbm>>
    tpu.enqueue_indirect_dma source(%dma_start3A_36 : memref<2000128xf32, #tpu.memory_space<hbm>>) target(%dma_start3A_32 : memref<128xf32, #tpu.memory_space<vmem>>) offsets(%dma_start3A_34 : memref<128xi32, #tpu.memory_space<vmem>>) semaphore(%arg18 : memref<!tpu.dma_semaphore, #tpu.memory_space<semaphore_mem>>)
    %dma_start3A_37 = arith.constant 0 : i32
    %dma_start3A_38 = tpu.memref_slice %arg14[%dma_start3A_37] : memref<512xf32, #tpu.memory_space<vmem>> -> memref<128xf32, #tpu.memory_space<vmem>>
    %dma_start3A_39 = arith.constant 0 : i32
    %dma_start3A_40 = tpu.memref_slice %arg11[%dma_start3A_39] : memref<512xi32, #tpu.memory_space<vmem>> -> memref<128xi32, #tpu.memory_space<vmem>>
    %dma_start3A_41 = arith.constant 0 : i32
    %dma_start3A_42 = tpu.memref_slice %arg3[%dma_start3A_41] : memref<1000000xf32, #tpu.memory_space<hbm>> -> memref<1000000xf32, #tpu.memory_space<hbm>>
    tpu.enqueue_indirect_dma source(%dma_start3A_42 : memref<1000000xf32, #tpu.memory_space<hbm>>) target(%dma_start3A_38 : memref<128xf32, #tpu.memory_space<vmem>>) offsets(%dma_start3A_40 : memref<128xi32, #tpu.memory_space<vmem>>) semaphore(%arg18 : memref<!tpu.dma_semaphore, #tpu.memory_space<semaphore_mem>>)
    %dma_start3A_43 = arith.constant 128 : i32
    %dma_start3A_44 = tpu.memref_slice %arg13[%dma_start3A_43] : memref<512xf32, #tpu.memory_space<vmem>> -> memref<128xf32, #tpu.memory_space<vmem>>
    %dma_start3A_45 = arith.constant 128 : i32
    %dma_start3A_46 = tpu.memref_slice %arg12[%dma_start3A_45] : memref<512xi32, #tpu.memory_space<vmem>> -> memref<128xi32, #tpu.memory_space<vmem>>
    %dma_start3A_47 = arith.constant 0 : i32
    %dma_start3A_48 = tpu.memref_slice %arg7[%dma_start3A_47] : memref<2000128xf32, #tpu.memory_space<hbm>> -> memref<2000128xf32, #tpu.memory_space<hbm>>
    tpu.enqueue_indirect_dma source(%dma_start3A_48 : memref<2000128xf32, #tpu.memory_space<hbm>>) target(%dma_start3A_44 : memref<128xf32, #tpu.memory_space<vmem>>) offsets(%dma_start3A_46 : memref<128xi32, #tpu.memory_space<vmem>>) semaphore(%arg18 : memref<!tpu.dma_semaphore, #tpu.memory_space<semaphore_mem>>)
    %dma_start3A_49 = arith.constant 128 : i32
    %dma_start3A_50 = tpu.memref_slice %arg14[%dma_start3A_49] : memref<512xf32, #tpu.memory_space<vmem>> -> memref<128xf32, #tpu.memory_space<vmem>>
    %dma_start3A_51 = arith.constant 128 : i32
    %dma_start3A_52 = tpu.memref_slice %arg11[%dma_start3A_51] : memref<512xi32, #tpu.memory_space<vmem>> -> memref<128xi32, #tpu.memory_space<vmem>>
    %dma_start3A_53 = arith.constant 0 : i32
    %dma_start3A_54 = tpu.memref_slice %arg3[%dma_start3A_53] : memref<1000000xf32, #tpu.memory_space<hbm>> -> memref<1000000xf32, #tpu.memory_space<hbm>>
    tpu.enqueue_indirect_dma source(%dma_start3A_54 : memref<1000000xf32, #tpu.memory_space<hbm>>) target(%dma_start3A_50 : memref<128xf32, #tpu.memory_space<vmem>>) offsets(%dma_start3A_52 : memref<128xi32, #tpu.memory_space<vmem>>) semaphore(%arg18 : memref<!tpu.dma_semaphore, #tpu.memory_space<semaphore_mem>>)
    %dma_start3A_55 = arith.constant 256 : i32
    %dma_start3A_56 = tpu.memref_slice %arg13[%dma_start3A_55] : memref<512xf32, #tpu.memory_space<vmem>> -> memref<128xf32, #tpu.memory_space<vmem>>
    %dma_start3A_57 = arith.constant 256 : i32
    %dma_start3A_58 = tpu.memref_slice %arg12[%dma_start3A_57] : memref<512xi32, #tpu.memory_space<vmem>> -> memref<128xi32, #tpu.memory_space<vmem>>
    %dma_start3A_59 = arith.constant 0 : i32
    %dma_start3A_60 = tpu.memref_slice %arg7[%dma_start3A_59] : memref<2000128xf32, #tpu.memory_space<hbm>> -> memref<2000128xf32, #tpu.memory_space<hbm>>
    tpu.enqueue_indirect_dma source(%dma_start3A_60 : memref<2000128xf32, #tpu.memory_space<hbm>>) target(%dma_start3A_56 : memref<128xf32, #tpu.memory_space<vmem>>) offsets(%dma_start3A_58 : memref<128xi32, #tpu.memory_space<vmem>>) semaphore(%arg18 : memref<!tpu.dma_semaphore, #tpu.memory_space<semaphore_mem>>)
    %dma_start3A_61 = arith.constant 256 : i32
    %dma_start3A_62 = tpu.memref_slice %arg14[%dma_start3A_61] : memref<512xf32, #tpu.memory_space<vmem>> -> memref<128xf32, #tpu.memory_space<vmem>>
    %dma_start3A_63 = arith.constant 256 : i32
    %dma_start3A_64 = tpu.memref_slice %arg11[%dma_start3A_63] : memref<512xi32, #tpu.memory_space<vmem>> -> memref<128xi32, #tpu.memory_space<vmem>>
    %dma_start3A_65 = arith.constant 0 : i32
    %dma_start3A_66 = tpu.memref_slice %arg3[%dma_start3A_65] : memref<1000000xf32, #tpu.memory_space<hbm>> -> memref<1000000xf32, #tpu.memory_space<hbm>>
    tpu.enqueue_indirect_dma source(%dma_start3A_66 : memref<1000000xf32, #tpu.memory_space<hbm>>) target(%dma_start3A_62 : memref<128xf32, #tpu.memory_space<vmem>>) offsets(%dma_start3A_64 : memref<128xi32, #tpu.memory_space<vmem>>) semaphore(%arg18 : memref<!tpu.dma_semaphore, #tpu.memory_space<semaphore_mem>>)
    %dma_start3A_67 = arith.constant 384 : i32
    %dma_start3A_68 = tpu.memref_slice %arg13[%dma_start3A_67] : memref<512xf32, #tpu.memory_space<vmem>> -> memref<128xf32, #tpu.memory_space<vmem>>
    %dma_start3A_69 = arith.constant 384 : i32
    %dma_start3A_70 = tpu.memref_slice %arg12[%dma_start3A_69] : memref<512xi32, #tpu.memory_space<vmem>> -> memref<128xi32, #tpu.memory_space<vmem>>
    %dma_start3A_71 = arith.constant 0 : i32
    %dma_start3A_72 = tpu.memref_slice %arg7[%dma_start3A_71] : memref<2000128xf32, #tpu.memory_space<hbm>> -> memref<2000128xf32, #tpu.memory_space<hbm>>
    tpu.enqueue_indirect_dma source(%dma_start3A_72 : memref<2000128xf32, #tpu.memory_space<hbm>>) target(%dma_start3A_68 : memref<128xf32, #tpu.memory_space<vmem>>) offsets(%dma_start3A_70 : memref<128xi32, #tpu.memory_space<vmem>>) semaphore(%arg18 : memref<!tpu.dma_semaphore, #tpu.memory_space<semaphore_mem>>)
    %dma_start3A_73 = arith.constant 384 : i32
    %dma_start3A_74 = tpu.memref_slice %arg14[%dma_start3A_73] : memref<512xf32, #tpu.memory_space<vmem>> -> memref<128xf32, #tpu.memory_space<vmem>>
    %dma_start3A_75 = arith.constant 384 : i32
    %dma_start3A_76 = tpu.memref_slice %arg11[%dma_start3A_75] : memref<512xi32, #tpu.memory_space<vmem>> -> memref<128xi32, #tpu.memory_space<vmem>>
    %dma_start3A_77 = arith.constant 0 : i32
    %dma_start3A_78 = tpu.memref_slice %arg3[%dma_start3A_77] : memref<1000000xf32, #tpu.memory_space<hbm>> -> memref<1000000xf32, #tpu.memory_space<hbm>>
    tpu.enqueue_indirect_dma source(%dma_start3A_78 : memref<1000000xf32, #tpu.memory_space<hbm>>) target(%dma_start3A_74 : memref<128xf32, #tpu.memory_space<vmem>>) offsets(%dma_start3A_76 : memref<128xi32, #tpu.memory_space<vmem>>) semaphore(%arg18 : memref<!tpu.dma_semaphore, #tpu.memory_space<semaphore_mem>>)
    %dma_wait3A_79 = arith.constant 0 : i32
    %dma_wait3A_80 = tpu.memref_slice %arg13[%dma_wait3A_79] : memref<512xf32, #tpu.memory_space<vmem>> -> memref<128xf32, #tpu.memory_space<vmem>>
    %dma_wait3A_81 = arith.constant 0 : i32
    %dma_wait3A_82 = tpu.memref_slice %arg12[%dma_wait3A_81] : memref<512xi32, #tpu.memory_space<vmem>> -> memref<128xi32, #tpu.memory_space<vmem>>
    %dma_wait3A_83 = arith.constant 0 : i32
    %dma_wait3A_84 = tpu.memref_slice %arg7[%dma_wait3A_83] : memref<2000128xf32, #tpu.memory_space<hbm>> -> memref<2000128xf32, #tpu.memory_space<hbm>>
    tpu.wait_indirect_dma semaphore(%arg18 : memref<!tpu.dma_semaphore, #tpu.memory_space<semaphore_mem>>) src(%dma_wait3A_84 : memref<2000128xf32, #tpu.memory_space<hbm>>) dst(%dma_wait3A_80 : memref<128xf32, #tpu.memory_space<vmem>>)
    %dma_wait3A_85 = arith.constant 0 : i32
    %dma_wait3A_86 = tpu.memref_slice %arg14[%dma_wait3A_85] : memref<512xf32, #tpu.memory_space<vmem>> -> memref<128xf32, #tpu.memory_space<vmem>>
    %dma_wait3A_87 = arith.constant 0 : i32
    %dma_wait3A_88 = tpu.memref_slice %arg11[%dma_wait3A_87] : memref<512xi32, #tpu.memory_space<vmem>> -> memref<128xi32, #tpu.memory_space<vmem>>
    %dma_wait3A_89 = arith.constant 0 : i32
    %dma_wait3A_90 = tpu.memref_slice %arg3[%dma_wait3A_89] : memref<1000000xf32, #tpu.memory_space<hbm>> -> memref<1000000xf32, #tpu.memory_space<hbm>>
    tpu.wait_indirect_dma semaphore(%arg18 : memref<!tpu.dma_semaphore, #tpu.memory_space<semaphore_mem>>) src(%dma_wait3A_90 : memref<1000000xf32, #tpu.memory_space<hbm>>) dst(%dma_wait3A_86 : memref<128xf32, #tpu.memory_space<vmem>>)
    %dma_wait3A_91 = arith.constant 128 : i32
    %dma_wait3A_92 = tpu.memref_slice %arg13[%dma_wait3A_91] : memref<512xf32, #tpu.memory_space<vmem>> -> memref<128xf32, #tpu.memory_space<vmem>>
    %dma_wait3A_93 = arith.constant 128 : i32
    %dma_wait3A_94 = tpu.memref_slice %arg12[%dma_wait3A_93] : memref<512xi32, #tpu.memory_space<vmem>> -> memref<128xi32, #tpu.memory_space<vmem>>
    %dma_wait3A_95 = arith.constant 0 : i32
    %dma_wait3A_96 = tpu.memref_slice %arg7[%dma_wait3A_95] : memref<2000128xf32, #tpu.memory_space<hbm>> -> memref<2000128xf32, #tpu.memory_space<hbm>>
    tpu.wait_indirect_dma semaphore(%arg18 : memref<!tpu.dma_semaphore, #tpu.memory_space<semaphore_mem>>) src(%dma_wait3A_96 : memref<2000128xf32, #tpu.memory_space<hbm>>) dst(%dma_wait3A_92 : memref<128xf32, #tpu.memory_space<vmem>>)
    %dma_wait3A_97 = arith.constant 128 : i32
    %dma_wait3A_98 = tpu.memref_slice %arg14[%dma_wait3A_97] : memref<512xf32, #tpu.memory_space<vmem>> -> memref<128xf32, #tpu.memory_space<vmem>>
    %dma_wait3A_99 = arith.constant 128 : i32
    %dma_wait3A_100 = tpu.memref_slice %arg11[%dma_wait3A_99] : memref<512xi32, #tpu.memory_space<vmem>> -> memref<128xi32, #tpu.memory_space<vmem>>
    %dma_wait3A_101 = arith.constant 0 : i32
    %dma_wait3A_102 = tpu.memref_slice %arg3[%dma_wait3A_101] : memref<1000000xf32, #tpu.memory_space<hbm>> -> memref<1000000xf32, #tpu.memory_space<hbm>>
    tpu.wait_indirect_dma semaphore(%arg18 : memref<!tpu.dma_semaphore, #tpu.memory_space<semaphore_mem>>) src(%dma_wait3A_102 : memref<1000000xf32, #tpu.memory_space<hbm>>) dst(%dma_wait3A_98 : memref<128xf32, #tpu.memory_space<vmem>>)
    %dma_wait3A_103 = arith.constant 256 : i32
    %dma_wait3A_104 = tpu.memref_slice %arg13[%dma_wait3A_103] : memref<512xf32, #tpu.memory_space<vmem>> -> memref<128xf32, #tpu.memory_space<vmem>>
    %dma_wait3A_105 = arith.constant 256 : i32
    %dma_wait3A_106 = tpu.memref_slice %arg12[%dma_wait3A_105] : memref<512xi32, #tpu.memory_space<vmem>> -> memref<128xi32, #tpu.memory_space<vmem>>
    %dma_wait3A_107 = arith.constant 0 : i32
    %dma_wait3A_108 = tpu.memref_slice %arg7[%dma_wait3A_107] : memref<2000128xf32, #tpu.memory_space<hbm>> -> memref<2000128xf32, #tpu.memory_space<hbm>>
    tpu.wait_indirect_dma semaphore(%arg18 : memref<!tpu.dma_semaphore, #tpu.memory_space<semaphore_mem>>) src(%dma_wait3A_108 : memref<2000128xf32, #tpu.memory_space<hbm>>) dst(%dma_wait3A_104 : memref<128xf32, #tpu.memory_space<vmem>>)
    %dma_wait3A_109 = arith.constant 256 : i32
    %dma_wait3A_110 = tpu.memref_slice %arg14[%dma_wait3A_109] : memref<512xf32, #tpu.memory_space<vmem>> -> memref<128xf32, #tpu.memory_space<vmem>>
    %dma_wait3A_111 = arith.constant 256 : i32
    %dma_wait3A_112 = tpu.memref_slice %arg11[%dma_wait3A_111] : memref<512xi32, #tpu.memory_space<vmem>> -> memref<128xi32, #tpu.memory_space<vmem>>
    %dma_wait3A_113 = arith.constant 0 : i32
    %dma_wait3A_114 = tpu.memref_slice %arg3[%dma_wait3A_113] : memref<1000000xf32, #tpu.memory_space<hbm>> -> memref<1000000xf32, #tpu.memory_space<hbm>>
    tpu.wait_indirect_dma semaphore(%arg18 : memref<!tpu.dma_semaphore, #tpu.memory_space<semaphore_mem>>) src(%dma_wait3A_114 : memref<1000000xf32, #tpu.memory_space<hbm>>) dst(%dma_wait3A_110 : memref<128xf32, #tpu.memory_space<vmem>>)
    %dma_wait3A_115 = arith.constant 384 : i32
    %dma_wait3A_116 = tpu.memref_slice %arg13[%dma_wait3A_115] : memref<512xf32, #tpu.memory_space<vmem>> -> memref<128xf32, #tpu.memory_space<vmem>>
    %dma_wait3A_117 = arith.constant 384 : i32
    %dma_wait3A_118 = tpu.memref_slice %arg12[%dma_wait3A_117] : memref<512xi32, #tpu.memory_space<vmem>> -> memref<128xi32, #tpu.memory_space<vmem>>
    %dma_wait3A_119 = arith.constant 0 : i32
    %dma_wait3A_120 = tpu.memref_slice %arg7[%dma_wait3A_119] : memref<2000128xf32, #tpu.memory_space<hbm>> -> memref<2000128xf32, #tpu.memory_space<hbm>>
    tpu.wait_indirect_dma semaphore(%arg18 : memref<!tpu.dma_semaphore, #tpu.memory_space<semaphore_mem>>) src(%dma_wait3A_120 : memref<2000128xf32, #tpu.memory_space<hbm>>) dst(%dma_wait3A_116 : memref<128xf32, #tpu.memory_space<vmem>>)
    %dma_wait3A_121 = arith.constant 384 : i32
    %dma_wait3A_122 = tpu.memref_slice %arg14[%dma_wait3A_121] : memref<512xf32, #tpu.memory_space<vmem>> -> memref<128xf32, #tpu.memory_space<vmem>>
    %dma_wait3A_123 = arith.constant 384 : i32
    %dma_wait3A_124 = tpu.memref_slice %arg11[%dma_wait3A_123] : memref<512xi32, #tpu.memory_space<vmem>> -> memref<128xi32, #tpu.memory_space<vmem>>
    %dma_wait3A_125 = arith.constant 0 : i32
    %dma_wait3A_126 = tpu.memref_slice %arg3[%dma_wait3A_125] : memref<1000000xf32, #tpu.memory_space<hbm>> -> memref<1000000xf32, #tpu.memory_space<hbm>>
    tpu.wait_indirect_dma semaphore(%arg18 : memref<!tpu.dma_semaphore, #tpu.memory_space<semaphore_mem>>) src(%dma_wait3A_126 : memref<1000000xf32, #tpu.memory_space<hbm>>) dst(%dma_wait3A_122 : memref<128xf32, #tpu.memory_space<vmem>>)
    %broadcast_in_dim3A = arith.constant 0.000000e+00 : f32
    %broadcast_in_dim3A_127 = vector.broadcast %broadcast_in_dim3A : f32 to vector<16xf32>
    %scan3A_128 = arith.constant 0 : i32
    %scan3A_129 = arith.constant 32 : i32
    %scan3A_130 = arith.addi %scan3A_128, %scan3A_129 : i32
    %scan3A_131 = arith.constant 1 : i32
    %scan3A_132:10 = scf.for %scan3A_182 = %scan3A_128 to %scan3A_130 step %scan3A_131 iter_args(%scan3A_183 = %broadcast_in_dim3A_127, %scan3A_184 = %broadcast_in_dim3A_127, %scan3A_185 = %broadcast_in_dim3A_127, %scan3A_186 = %broadcast_in_dim3A_127, %scan3A_187 = %broadcast_in_dim3A_127, %scan3A_188 = %broadcast_in_dim3A_127, %scan3A_189 = %broadcast_in_dim3A_127, %scan3A_190 = %broadcast_in_dim3A_127, %scan3A_191 = %broadcast_in_dim3A_127, %scan3A_192 = %broadcast_in_dim3A_127) -> (vector<16xf32>, vector<16xf32>, vector<16xf32>, vector<16xf32>, vector<16xf32>, vector<16xf32>, vector<16xf32>, vector<16xf32>, vector<16xf32>, vector<16xf32>)  : i32 {
      %mul3A_193 = arith.constant 16 : i32
      %mul3A_194 = arith.muli %scan3A_182, %mul3A_193 : i32
      %get3A = arith.index_cast %mul3A_194 : i32 to index
      %get3A_195 = tpu.vector_load %arg15[%get3A] {strides = array<i32>} : memref<512xf32, #tpu.memory_space<vmem>>, vector<16xf32>,
      %get3A_196 = arith.index_cast %mul3A_194 : i32 to index
      %get3A_197 = tpu.vector_load %arg16[%get3A_196] {strides = array<i32>} : memref<512xi32, #tpu.memory_space<vmem>>, vector<16xi32>,
      %get3A_198 = arith.index_cast %mul3A_194 : i32 to index
      %get3A_199 = tpu.vector_load %arg13[%get3A_198] {strides = array<i32>} : memref<512xf32, #tpu.memory_space<vmem>>, vector<16xf32>,
      %get3A_200 = arith.index_cast %mul3A_194 : i32 to index
      %get3A_201 = tpu.vector_load %arg14[%get3A_200] {strides = array<i32>} : memref<512xf32, #tpu.memory_space<vmem>>, vector<16xf32>,
      %mul3A_202 = arith.constant 1.000000e-01 : f32
      %mul3A_203 = vector.broadcast %mul3A_202 : f32 to vector<16xf32>
      %mul3A_204 = arith.mulf %mul3A_203, %get3A_201 : vector<16xf32>
      %add3A_205 = arith.addf %mul3A_204, %get3A_199 : vector<16xf32>
      %bitcast3A = vector.bitcast %add3A_205 : vector<16xf32> to vector<16xi32>
      %shift_right_logical3A = arith.constant 23 : i32
      %shift_right_logical3A_206 = vector.broadcast %shift_right_logical3A : i32 to vector<16xi32>
      %shift_right_logical3A_207 = arith.shrui %bitcast3A, %shift_right_logical3A_206 : vector<16xi32>
      %sub3A = arith.constant 127 : i32
      %sub3A_208 = vector.broadcast %sub3A : i32 to vector<16xi32>
      %sub3A_209 = arith.subi %shift_right_logical3A_207, %sub3A_208 : vector<16xi32>
      %and3A = arith.constant 8388607 : i32
      %and3A_210 = vector.broadcast %and3A : i32 to vector<16xi32>
      %and3A_211 = arith.andi %bitcast3A, %and3A_210 : vector<16xi32>
      %or3A = arith.constant 1065353216 : i32
      %or3A_212 = vector.broadcast %or3A : i32 to vector<16xi32>
      %or3A_213 = arith.ori %and3A_211, %or3A_212 : vector<16xi32>
      %bitcast3A_214 = vector.bitcast %or3A_213 : vector<16xi32> to vector<16xf32>
      %gt3A = arith.constant 1.41421354 : f32
      %gt3A_215 = vector.broadcast %gt3A : f32 to vector<16xf32>
      %gt3A_216 = arith.cmpf ogt, %bitcast3A_214, %gt3A_215 : vector<16xf32>
      %mul3A_217 = arith.constant 5.000000e-01 : f32
      %mul3A_218 = vector.broadcast %mul3A_217 : f32 to vector<16xf32>
      %mul3A_219 = arith.mulf %mul3A_218, %bitcast3A_214 : vector<16xf32>
      %select_n3A = arith.select %gt3A_216, %mul3A_219, %bitcast3A_214 : vector<16xi1>, vector<16xf32>
      %add3A_220 = arith.constant 1 : i32
      %add3A_221 = vector.broadcast %add3A_220 : i32 to vector<16xi32>
      %add3A_222 = arith.addi %sub3A_209, %add3A_221 : vector<16xi32>
      %select_n3A_223 = arith.select %gt3A_216, %add3A_222, %sub3A_209 : vector<16xi1>, vector<16xi32>
      %sub3A_224 = arith.constant 1.000000e+00 : f32
      %sub3A_225 = vector.broadcast %sub3A_224 : f32 to vector<16xf32>
      %sub3A_226 = arith.subf %select_n3A, %sub3A_225 : vector<16xf32>
      %add3A_227 = arith.constant 1.000000e+00 : f32
      %add3A_228 = vector.broadcast %add3A_227 : f32 to vector<16xf32>
      %add3A_229 = arith.addf %select_n3A, %add3A_228 : vector<16xf32>
      %div3A = arith.divf %sub3A_226, %add3A_229 : vector<16xf32>
      %mul3A_230 = arith.mulf %div3A, %div3A : vector<16xf32>
      %mul3A_231 = arith.constant 0.222222224 : f32
      %mul3A_232 = vector.broadcast %mul3A_231 : f32 to vector<16xf32>
      %mul3A_233 = arith.mulf %mul3A_230, %mul3A_232 : vector<16xf32>
      %add3A_234 = arith.constant 0.285714298 : f32
      %add3A_235 = vector.broadcast %add3A_234 : f32 to vector<16xf32>
      %add3A_236 = arith.addf %add3A_235, %mul3A_233 : vector<16xf32>
      %mul3A_237 = arith.mulf %mul3A_230, %add3A_236 : vector<16xf32>
      %add3A_238 = arith.constant 4.000000e-01 : f32
      %add3A_239 = vector.broadcast %add3A_238 : f32 to vector<16xf32>
      %add3A_240 = arith.addf %add3A_239, %mul3A_237 : vector<16xf32>
      %mul3A_241 = arith.mulf %mul3A_230, %add3A_240 : vector<16xf32>
      %add3A_242 = arith.constant 0.666666686 : f32
      %add3A_243 = vector.broadcast %add3A_242 : f32 to vector<16xf32>
      %add3A_244 = arith.addf %add3A_243, %mul3A_241 : vector<16xf32>
      %mul3A_245 = arith.mulf %mul3A_230, %add3A_244 : vector<16xf32>
      %add3A_246 = arith.constant 2.000000e+00 : f32
      %add3A_247 = vector.broadcast %add3A_246 : f32 to vector<16xf32>
      %add3A_248 = arith.addf %add3A_247, %mul3A_245 : vector<16xf32>
      %mul3A_249 = arith.mulf %div3A, %add3A_248 : vector<16xf32>
      %convert_element_type3A = arith.sitofp %select_n3A_223 : vector<16xi32> to vector<16xf32>
      %mul3A_250 = arith.constant 0.693147182 : f32
      %mul3A_251 = vector.broadcast %mul3A_250 : f32 to vector<16xf32>
      %mul3A_252 = arith.mulf %convert_element_type3A, %mul3A_251 : vector<16xf32>
      %add3A_253 = arith.addf %mul3A_252, %mul3A_249 : vector<16xf32>
      %mul3A_254 = arith.constant 1.000000e-01 : f32
      %mul3A_255 = vector.broadcast %mul3A_254 : f32 to vector<16xf32>
      %mul3A_256 = arith.mulf %mul3A_255, %add3A_253 : vector<16xf32>
      %div3A_257 = arith.divf %get3A_195, %add3A_205 : vector<16xf32>
      %eq3A = arith.constant 1 : i32
      %eq3A_258 = vector.broadcast %eq3A : i32 to vector<16xi32>
      %eq3A_259 = arith.cmpi eq, %get3A_197, %eq3A_258 : vector<16xi32>
      %jit3A = arith.constant 1.000000e+00 : f32
      %jit3A_260 = arith.constant 0.000000e+00 : f32
      %broadcast_in_dim3A_261 = vector.broadcast %jit3A : f32 to vector<16xf32>
      %broadcast_in_dim3A_262 = vector.broadcast %jit3A_260 : f32 to vector<16xf32>
      %select_n3A_263 = arith.select %eq3A_259, %broadcast_in_dim3A_261, %broadcast_in_dim3A_262 : vector<16xi1>, vector<16xf32>
      %eq3A_264 = arith.constant 0 : i32
      %eq3A_265 = vector.broadcast %eq3A_264 : i32 to vector<16xi32>
      %eq3A_266 = arith.cmpi eq, %get3A_197, %eq3A_265 : vector<16xi32>
      %jit3A_267 = arith.constant 1.000000e+00 : f32
      %jit3A_268 = arith.constant 0.000000e+00 : f32
      %broadcast_in_dim3A_269 = vector.broadcast %jit3A_267 : f32 to vector<16xf32>
      %broadcast_in_dim3A_270 = vector.broadcast %jit3A_268 : f32 to vector<16xf32>
      %select_n3A_271 = arith.select %eq3A_266, %broadcast_in_dim3A_269, %broadcast_in_dim3A_270 : vector<16xi1>, vector<16xf32>
      %mul3A_272 = arith.mulf %mul3A_256, %div3A_257 : vector<16xf32>
      %mul3A_273 = arith.mulf %mul3A_256, %mul3A_256 : vector<16xf32>
      %add3A_274 = arith.addf %scan3A_183, %select_n3A_263 : vector<16xf32>
      %add3A_275 = arith.addf %scan3A_184, %select_n3A_271 : vector<16xf32>
      %mul3A_276 = arith.mulf %select_n3A_263, %mul3A_272 : vector<16xf32>
      %add3A_277 = arith.addf %scan3A_185, %mul3A_276 : vector<16xf32>
      %mul3A_278 = arith.mulf %select_n3A_271, %mul3A_272 : vector<16xf32>
      %add3A_279 = arith.addf %scan3A_186, %mul3A_278 : vector<16xf32>
      %mul3A_280 = arith.mulf %select_n3A_263, %div3A_257 : vector<16xf32>
      %add3A_281 = arith.addf %scan3A_187, %mul3A_280 : vector<16xf32>
      %mul3A_282 = arith.mulf %select_n3A_271, %div3A_257 : vector<16xf32>
      %add3A_283 = arith.addf %scan3A_188, %mul3A_282 : vector<16xf32>
      %mul3A_284 = arith.mulf %select_n3A_263, %mul3A_273 : vector<16xf32>
      %add3A_285 = arith.addf %scan3A_189, %mul3A_284 : vector<16xf32>
      %mul3A_286 = arith.mulf %select_n3A_271, %mul3A_273 : vector<16xf32>
      %add3A_287 = arith.addf %scan3A_190, %mul3A_286 : vector<16xf32>
      %mul3A_288 = arith.mulf %select_n3A_263, %mul3A_256 : vector<16xf32>
      %add3A_289 = arith.addf %scan3A_191, %mul3A_288 : vector<16xf32>
      %mul3A_290 = arith.mulf %select_n3A_271, %mul3A_256 : vector<16xf32>
      %add3A_291 = arith.addf %scan3A_192, %mul3A_290 : vector<16xf32>
      scf.yield %add3A_274, %add3A_275, %add3A_277, %add3A_279, %add3A_281, %add3A_283, %add3A_285, %add3A_287, %add3A_289, %add3A_291 : vector<16xf32>, vector<16xf32>, vector<16xf32>, vector<16xf32>, vector<16xf32>, vector<16xf32>, vector<16xf32>, vector<16xf32>, vector<16xf32>, vector<16xf32>
    }
    %scan3A_133 = arith.constant 32 : i32
    %swap3A = arith.constant 0 : index
    %swap3A_134 = tpu.vector_load %arg17[%swap3A] {strides = array<i32>} : memref<160xf32, #tpu.memory_space<vmem>>, vector<16xf32>,
    tpu.vector_store %arg17[%swap3A], %scan3A_132#0 {strides = array<i32>} : memref<160xf32, #tpu.memory_space<vmem>>, vector<16xf32>,
    %swap3A_135 = arith.constant 16 : index
    %swap3A_136 = tpu.vector_load %arg17[%swap3A_135] {strides = array<i32>} : memref<160xf32, #tpu.memory_space<vmem>>, vector<16xf32>,
    tpu.vector_store %arg17[%swap3A_135], %scan3A_132#1 {strides = array<i32>} : memref<160xf32, #tpu.memory_space<vmem>>, vector<16xf32>,
    %swap3A_137 = arith.constant 32 : index
    %swap3A_138 = tpu.vector_load %arg17[%swap3A_137] {strides = array<i32>} : memref<160xf32, #tpu.memory_space<vmem>>, vector<16xf32>,
    tpu.vector_store %arg17[%swap3A_137], %scan3A_132#2 {strides = array<i32>} : memref<160xf32, #tpu.memory_space<vmem>>, vector<16xf32>,
    %swap3A_139 = arith.constant 48 : index
    %swap3A_140 = tpu.vector_load %arg17[%swap3A_139] {strides = array<i32>} : memref<160xf32, #tpu.memory_space<vmem>>, vector<16xf32>,
    tpu.vector_store %arg17[%swap3A_139], %scan3A_132#3 {strides = array<i32>} : memref<160xf32, #tpu.memory_space<vmem>>, vector<16xf32>,
    %swap3A_141 = arith.constant 64 : index
    %swap3A_142 = tpu.vector_load %arg17[%swap3A_141] {strides = array<i32>} : memref<160xf32, #tpu.memory_space<vmem>>, vector<16xf32>,
    tpu.vector_store %arg17[%swap3A_141], %scan3A_132#4 {strides = array<i32>} : memref<160xf32, #tpu.memory_space<vmem>>, vector<16xf32>,
    %swap3A_143 = arith.constant 80 : index
    %swap3A_144 = tpu.vector_load %arg17[%swap3A_143] {strides = array<i32>} : memref<160xf32, #tpu.memory_space<vmem>>, vector<16xf32>,
    tpu.vector_store %arg17[%swap3A_143], %scan3A_132#5 {strides = array<i32>} : memref<160xf32, #tpu.memory_space<vmem>>, vector<16xf32>,
    %swap3A_145 = arith.constant 96 : index
    %swap3A_146 = tpu.vector_load %arg17[%swap3A_145] {strides = array<i32>} : memref<160xf32, #tpu.memory_space<vmem>>, vector<16xf32>,
    tpu.vector_store %arg17[%swap3A_145], %scan3A_132#6 {strides = array<i32>} : memref<160xf32, #tpu.memory_space<vmem>>, vector<16xf32>,
    %swap3A_147 = arith.constant 112 : index
    %swap3A_148 = tpu.vector_load %arg17[%swap3A_147] {strides = array<i32>} : memref<160xf32, #tpu.memory_space<vmem>>, vector<16xf32>,
    tpu.vector_store %arg17[%swap3A_147], %scan3A_132#7 {strides = array<i32>} : memref<160xf32, #tpu.memory_space<vmem>>, vector<16xf32>,
    %swap3A_149 = arith.constant 128 : index
    %swap3A_150 = tpu.vector_load %arg17[%swap3A_149] {strides = array<i32>} : memref<160xf32, #tpu.memory_space<vmem>>, vector<16xf32>,
    tpu.vector_store %arg17[%swap3A_149], %scan3A_132#8 {strides = array<i32>} : memref<160xf32, #tpu.memory_space<vmem>>, vector<16xf32>,
    %swap3A_151 = arith.constant 144 : index
    %swap3A_152 = tpu.vector_load %arg17[%swap3A_151] {strides = array<i32>} : memref<160xf32, #tpu.memory_space<vmem>>, vector<16xf32>,
    tpu.vector_store %arg17[%swap3A_151], %scan3A_132#9 {strides = array<i32>} : memref<160xf32, #tpu.memory_space<vmem>>, vector<16xf32>,
    %mul3A_153 = arith.constant 16 : i32
    %mul3A_154 = arith.muli %add3A, %mul3A_153 : i32
    %run_scoped3A = arith.constant 0 : i32
    "tpu.region"() ({
      %run_scoped3A_182 = tpu.sem_alloc : memref<!tpu.dma_semaphore, #tpu.memory_space<semaphore_mem>>
      %dma_start3A_183 = arith.constant 0 : i32
      %dma_start3A_184 = tpu.memref_slice %arg17[%dma_start3A_183] : memref<160xf32, #tpu.memory_space<vmem>> -> memref<16xf32, #tpu.memory_space<vmem>>
      %dma_start3A_185 = tpu.memref_slice %arg6[%run_scoped3A, %mul3A_154] : memref<10x512xf32, #tpu.memory_space<hbm>> -> memref<1x16xf32, #tpu.memory_space<hbm>>
      %dma_start3A_186 = tpu.memref_squeeze %dma_start3A_185 : memref<1x16xf32, #tpu.memory_space<hbm>> -> memref<16xf32, #tpu.memory_space<hbm>>
      %dma_start3A_187 = tpu.memref_slice %arg6[%run_scoped3A, %mul3A_154] : memref<10x512xf32, #tpu.memory_space<hbm>> -> memref<1x16xf32, #tpu.memory_space<hbm>>
      %dma_start3A_188 = tpu.memref_squeeze %dma_start3A_187 : memref<1x16xf32, #tpu.memory_space<hbm>> -> memref<16xf32, #tpu.memory_space<hbm>>
      %dma_start3A_189 = arith.constant 0 : i32
      %dma_start3A_190 = tpu.memref_slice %arg17[%dma_start3A_189] : memref<160xf32, #tpu.memory_space<vmem>> -> memref<16xf32, #tpu.memory_space<vmem>>
      tpu.enqueue_dma source(%dma_start3A_190 : memref<16xf32, #tpu.memory_space<vmem>>) target(%dma_start3A_188 : memref<16xf32, #tpu.memory_space<hbm>>) target_semaphore(%run_scoped3A_182 : memref<!tpu.dma_semaphore, #tpu.memory_space<semaphore_mem>>)
      %dma_wait3A_191 = arith.constant 0 : i32
      %dma_wait3A_192 = tpu.memref_slice %arg17[%dma_wait3A_191] : memref<160xf32, #tpu.memory_space<vmem>> -> memref<16xf32, #tpu.memory_space<vmem>>
      %dma_wait3A_193 = tpu.memref_slice %arg6[%run_scoped3A, %mul3A_154] : memref<10x512xf32, #tpu.memory_space<hbm>> -> memref<1x16xf32, #tpu.memory_space<hbm>>
      %dma_wait3A_194 = tpu.memref_squeeze %dma_wait3A_193 : memref<1x16xf32, #tpu.memory_space<hbm>> -> memref<16xf32, #tpu.memory_space<hbm>>
      %dma_wait3A_195 = tpu.memref_slice %arg6[%run_scoped3A, %mul3A_154] : memref<10x512xf32, #tpu.memory_space<hbm>> -> memref<1x16xf32, #tpu.memory_space<hbm>>
      %dma_wait3A_196 = tpu.memref_squeeze %dma_wait3A_195 : memref<1x16xf32, #tpu.memory_space<hbm>> -> memref<16xf32, #tpu.memory_space<hbm>>
      %dma_wait3A_197 = arith.constant 0 : i32
      %dma_wait3A_198 = tpu.memref_slice %arg17[%dma_wait3A_197] : memref<160xf32, #tpu.memory_space<vmem>> -> memref<16xf32, #tpu.memory_space<vmem>>
      tpu.wait_dma2 semaphore(%run_scoped3A_182 : memref<!tpu.dma_semaphore, #tpu.memory_space<semaphore_mem>>) src(%dma_wait3A_198 : memref<16xf32, #tpu.memory_space<vmem>>) dst(%dma_wait3A_196 : memref<16xf32, #tpu.memory_space<hbm>>)
      tpu.yield
    }) : () -> ()
    %mul3A_155 = arith.constant 16 : i32
    %mul3A_156 = arith.muli %add3A, %mul3A_155 : i32
    %run_scoped3A_157 = arith.constant 1 : i32
    "tpu.region"() ({
      %run_scoped3A_182 = tpu.sem_alloc : memref<!tpu.dma_semaphore, #tpu.memory_space<semaphore_mem>>
      %dma_start3A_183 = arith.constant 16 : i32
      %dma_start3A_184 = tpu.memref_slice %arg17[%dma_start3A_183] : memref<160xf32, #tpu.memory_space<vmem>> -> memref<16xf32, #tpu.memory_space<vmem>>
      %dma_start3A_185 = tpu.memref_slice %arg6[%run_scoped3A_157, %mul3A_156] : memref<10x512xf32, #tpu.memory_space<hbm>> -> memref<1x16xf32, #tpu.memory_space<hbm>>
      %dma_start3A_186 = tpu.memref_squeeze %dma_start3A_185 : memref<1x16xf32, #tpu.memory_space<hbm>> -> memref<16xf32, #tpu.memory_space<hbm>>
      %dma_start3A_187 = tpu.memref_slice %arg6[%run_scoped3A_157, %mul3A_156] : memref<10x512xf32, #tpu.memory_space<hbm>> -> memref<1x16xf32, #tpu.memory_space<hbm>>
      %dma_start3A_188 = tpu.memref_squeeze %dma_start3A_187 : memref<1x16xf32, #tpu.memory_space<hbm>> -> memref<16xf32, #tpu.memory_space<hbm>>
      %dma_start3A_189 = arith.constant 16 : i32
      %dma_start3A_190 = tpu.memref_slice %arg17[%dma_start3A_189] : memref<160xf32, #tpu.memory_space<vmem>> -> memref<16xf32, #tpu.memory_space<vmem>>
      tpu.enqueue_dma source(%dma_start3A_190 : memref<16xf32, #tpu.memory_space<vmem>>) target(%dma_start3A_188 : memref<16xf32, #tpu.memory_space<hbm>>) target_semaphore(%run_scoped3A_182 : memref<!tpu.dma_semaphore, #tpu.memory_space<semaphore_mem>>)
      %dma_wait3A_191 = arith.constant 16 : i32
      %dma_wait3A_192 = tpu.memref_slice %arg17[%dma_wait3A_191] : memref<160xf32, #tpu.memory_space<vmem>> -> memref<16xf32, #tpu.memory_space<vmem>>
      %dma_wait3A_193 = tpu.memref_slice %arg6[%run_scoped3A_157, %mul3A_156] : memref<10x512xf32, #tpu.memory_space<hbm>> -> memref<1x16xf32, #tpu.memory_space<hbm>>
      %dma_wait3A_194 = tpu.memref_squeeze %dma_wait3A_193 : memref<1x16xf32, #tpu.memory_space<hbm>> -> memref<16xf32, #tpu.memory_space<hbm>>
      %dma_wait3A_195 = tpu.memref_slice %arg6[%run_scoped3A_157, %mul3A_156] : memref<10x512xf32, #tpu.memory_space<hbm>> -> memref<1x16xf32, #tpu.memory_space<hbm>>
      %dma_wait3A_196 = tpu.memref_squeeze %dma_wait3A_195 : memref<1x16xf32, #tpu.memory_space<hbm>> -> memref<16xf32, #tpu.memory_space<hbm>>
      %dma_wait3A_197 = arith.constant 16 : i32
      %dma_wait3A_198 = tpu.memref_slice %arg17[%dma_wait3A_197] : memref<160xf32, #tpu.memory_space<vmem>> -> memref<16xf32, #tpu.memory_space<vmem>>
      tpu.wait_dma2 semaphore(%run_scoped3A_182 : memref<!tpu.dma_semaphore, #tpu.memory_space<semaphore_mem>>) src(%dma_wait3A_198 : memref<16xf32, #tpu.memory_space<vmem>>) dst(%dma_wait3A_196 : memref<16xf32, #tpu.memory_space<hbm>>)
      tpu.yield
    }) : () -> ()
    %mul3A_158 = arith.constant 16 : i32
    %mul3A_159 = arith.muli %add3A, %mul3A_158 : i32
    %run_scoped3A_160 = arith.constant 2 : i32
    "tpu.region"() ({
      %run_scoped3A_182 = tpu.sem_alloc : memref<!tpu.dma_semaphore, #tpu.memory_space<semaphore_mem>>
      %dma_start3A_183 = arith.constant 32 : i32
      %dma_start3A_184 = tpu.memref_slice %arg17[%dma_start3A_183] : memref<160xf32, #tpu.memory_space<vmem>> -> memref<16xf32, #tpu.memory_space<vmem>>
      %dma_start3A_185 = tpu.memref_slice %arg6[%run_scoped3A_160, %mul3A_159] : memref<10x512xf32, #tpu.memory_space<hbm>> -> memref<1x16xf32, #tpu.memory_space<hbm>>
      %dma_start3A_186 = tpu.memref_squeeze %dma_start3A_185 : memref<1x16xf32, #tpu.memory_space<hbm>> -> memref<16xf32, #tpu.memory_space<hbm>>
      %dma_start3A_187 = tpu.memref_slice %arg6[%run_scoped3A_160, %mul3A_159] : memref<10x512xf32, #tpu.memory_space<hbm>> -> memref<1x16xf32, #tpu.memory_space<hbm>>
      %dma_start3A_188 = tpu.memref_squeeze %dma_start3A_187 : memref<1x16xf32, #tpu.memory_space<hbm>> -> memref<16xf32, #tpu.memory_space<hbm>>
      %dma_start3A_189 = arith.constant 32 : i32
      %dma_start3A_190 = tpu.memref_slice %arg17[%dma_start3A_189] : memref<160xf32, #tpu.memory_space<vmem>> -> memref<16xf32, #tpu.memory_space<vmem>>
      tpu.enqueue_dma source(%dma_start3A_190 : memref<16xf32, #tpu.memory_space<vmem>>) target(%dma_start3A_188 : memref<16xf32, #tpu.memory_space<hbm>>) target_semaphore(%run_scoped3A_182 : memref<!tpu.dma_semaphore, #tpu.memory_space<semaphore_mem>>)
      %dma_wait3A_191 = arith.constant 32 : i32
      %dma_wait3A_192 = tpu.memref_slice %arg17[%dma_wait3A_191] : memref<160xf32, #tpu.memory_space<vmem>> -> memref<16xf32, #tpu.memory_space<vmem>>
      %dma_wait3A_193 = tpu.memref_slice %arg6[%run_scoped3A_160, %mul3A_159] : memref<10x512xf32, #tpu.memory_space<hbm>> -> memref<1x16xf32, #tpu.memory_space<hbm>>
      %dma_wait3A_194 = tpu.memref_squeeze %dma_wait3A_193 : memref<1x16xf32, #tpu.memory_space<hbm>> -> memref<16xf32, #tpu.memory_space<hbm>>
      %dma_wait3A_195 = tpu.memref_slice %arg6[%run_scoped3A_160, %mul3A_159] : memref<10x512xf32, #tpu.memory_space<hbm>> -> memref<1x16xf32, #tpu.memory_space<hbm>>
      %dma_wait3A_196 = tpu.memref_squeeze %dma_wait3A_195 : memref<1x16xf32, #tpu.memory_space<hbm>> -> memref<16xf32, #tpu.memory_space<hbm>>
      %dma_wait3A_197 = arith.constant 32 : i32
      %dma_wait3A_198 = tpu.memref_slice %arg17[%dma_wait3A_197] : memref<160xf32, #tpu.memory_space<vmem>> -> memref<16xf32, #tpu.memory_space<vmem>>
      tpu.wait_dma2 semaphore(%run_scoped3A_182 : memref<!tpu.dma_semaphore, #tpu.memory_space<semaphore_mem>>) src(%dma_wait3A_198 : memref<16xf32, #tpu.memory_space<vmem>>) dst(%dma_wait3A_196 : memref<16xf32, #tpu.memory_space<hbm>>)
      tpu.yield
    }) : () -> ()
    %mul3A_161 = arith.constant 16 : i32
    %mul3A_162 = arith.muli %add3A, %mul3A_161 : i32
    %run_scoped3A_163 = arith.constant 3 : i32
    "tpu.region"() ({
      %run_scoped3A_182 = tpu.sem_alloc : memref<!tpu.dma_semaphore, #tpu.memory_space<semaphore_mem>>
      %dma_start3A_183 = arith.constant 48 : i32
      %dma_start3A_184 = tpu.memref_slice %arg17[%dma_start3A_183] : memref<160xf32, #tpu.memory_space<vmem>> -> memref<16xf32, #tpu.memory_space<vmem>>
      %dma_start3A_185 = tpu.memref_slice %arg6[%run_scoped3A_163, %mul3A_162] : memref<10x512xf32, #tpu.memory_space<hbm>> -> memref<1x16xf32, #tpu.memory_space<hbm>>
      %dma_start3A_186 = tpu.memref_squeeze %dma_start3A_185 : memref<1x16xf32, #tpu.memory_space<hbm>> -> memref<16xf32, #tpu.memory_space<hbm>>
      %dma_start3A_187 = tpu.memref_slice %arg6[%run_scoped3A_163, %mul3A_162] : memref<10x512xf32, #tpu.memory_space<hbm>> -> memref<1x16xf32, #tpu.memory_space<hbm>>
      %dma_start3A_188 = tpu.memref_squeeze %dma_start3A_187 : memref<1x16xf32, #tpu.memory_space<hbm>> -> memref<16xf32, #tpu.memory_space<hbm>>
      %dma_start3A_189 = arith.constant 48 : i32
      %dma_start3A_190 = tpu.memref_slice %arg17[%dma_start3A_189] : memref<160xf32, #tpu.memory_space<vmem>> -> memref<16xf32, #tpu.memory_space<vmem>>
      tpu.enqueue_dma source(%dma_start3A_190 : memref<16xf32, #tpu.memory_space<vmem>>) target(%dma_start3A_188 : memref<16xf32, #tpu.memory_space<hbm>>) target_semaphore(%run_scoped3A_182 : memref<!tpu.dma_semaphore, #tpu.memory_space<semaphore_mem>>)
      %dma_wait3A_191 = arith.constant 48 : i32
      %dma_wait3A_192 = tpu.memref_slice %arg17[%dma_wait3A_191] : memref<160xf32, #tpu.memory_space<vmem>> -> memref<16xf32, #tpu.memory_space<vmem>>
      %dma_wait3A_193 = tpu.memref_slice %arg6[%run_scoped3A_163, %mul3A_162] : memref<10x512xf32, #tpu.memory_space<hbm>> -> memref<1x16xf32, #tpu.memory_space<hbm>>
      %dma_wait3A_194 = tpu.memref_squeeze %dma_wait3A_193 : memref<1x16xf32, #tpu.memory_space<hbm>> -> memref<16xf32, #tpu.memory_space<hbm>>
      %dma_wait3A_195 = tpu.memref_slice %arg6[%run_scoped3A_163, %mul3A_162] : memref<10x512xf32, #tpu.memory_space<hbm>> -> memref<1x16xf32, #tpu.memory_space<hbm>>
      %dma_wait3A_196 = tpu.memref_squeeze %dma_wait3A_195 : memref<1x16xf32, #tpu.memory_space<hbm>> -> memref<16xf32, #tpu.memory_space<hbm>>
      %dma_wait3A_197 = arith.constant 48 : i32
      %dma_wait3A_198 = tpu.memref_slice %arg17[%dma_wait3A_197] : memref<160xf32, #tpu.memory_space<vmem>> -> memref<16xf32, #tpu.memory_space<vmem>>
      tpu.wait_dma2 semaphore(%run_scoped3A_182 : memref<!tpu.dma_semaphore, #tpu.memory_space<semaphore_mem>>) src(%dma_wait3A_198 : memref<16xf32, #tpu.memory_space<vmem>>) dst(%dma_wait3A_196 : memref<16xf32, #tpu.memory_space<hbm>>)
      tpu.yield
    }) : () -> ()
    %mul3A_164 = arith.constant 16 : i32
    %mul3A_165 = arith.muli %add3A, %mul3A_164 : i32
    %run_scoped3A_166 = arith.constant 4 : i32
    "tpu.region"() ({
      %run_scoped3A_182 = tpu.sem_alloc : memref<!tpu.dma_semaphore, #tpu.memory_space<semaphore_mem>>
      %dma_start3A_183 = arith.constant 64 : i32
      %dma_start3A_184 = tpu.memref_slice %arg17[%dma_start3A_183] : memref<160xf32, #tpu.memory_space<vmem>> -> memref<16xf32, #tpu.memory_space<vmem>>
      %dma_start3A_185 = tpu.memref_slice %arg6[%run_scoped3A_166, %mul3A_165] : memref<10x512xf32, #tpu.memory_space<hbm>> -> memref<1x16xf32, #tpu.memory_space<hbm>>
      %dma_start3A_186 = tpu.memref_squeeze %dma_start3A_185 : memref<1x16xf32, #tpu.memory_space<hbm>> -> memref<16xf32, #tpu.memory_space<hbm>>
      %dma_start3A_187 = tpu.memref_slice %arg6[%run_scoped3A_166, %mul3A_165] : memref<10x512xf32, #tpu.memory_space<hbm>> -> memref<1x16xf32, #tpu.memory_space<hbm>>
      %dma_start3A_188 = tpu.memref_squeeze %dma_start3A_187 : memref<1x16xf32, #tpu.memory_space<hbm>> -> memref<16xf32, #tpu.memory_space<hbm>>
      %dma_start3A_189 = arith.constant 64 : i32
      %dma_start3A_190 = tpu.memref_slice %arg17[%dma_start3A_189] : memref<160xf32, #tpu.memory_space<vmem>> -> memref<16xf32, #tpu.memory_space<vmem>>
      tpu.enqueue_dma source(%dma_start3A_190 : memref<16xf32, #tpu.memory_space<vmem>>) target(%dma_start3A_188 : memref<16xf32, #tpu.memory_space<hbm>>) target_semaphore(%run_scoped3A_182 : memref<!tpu.dma_semaphore, #tpu.memory_space<semaphore_mem>>)
      %dma_wait3A_191 = arith.constant 64 : i32
      %dma_wait3A_192 = tpu.memref_slice %arg17[%dma_wait3A_191] : memref<160xf32, #tpu.memory_space<vmem>> -> memref<16xf32, #tpu.memory_space<vmem>>
      %dma_wait3A_193 = tpu.memref_slice %arg6[%run_scoped3A_166, %mul3A_165] : memref<10x512xf32, #tpu.memory_space<hbm>> -> memref<1x16xf32, #tpu.memory_space<hbm>>
      %dma_wait3A_194 = tpu.memref_squeeze %dma_wait3A_193 : memref<1x16xf32, #tpu.memory_space<hbm>> -> memref<16xf32, #tpu.memory_space<hbm>>
      %dma_wait3A_195 = tpu.memref_slice %arg6[%run_scoped3A_166, %mul3A_165] : memref<10x512xf32, #tpu.memory_space<hbm>> -> memref<1x16xf32, #tpu.memory_space<hbm>>
      %dma_wait3A_196 = tpu.memref_squeeze %dma_wait3A_195 : memref<1x16xf32, #tpu.memory_space<hbm>> -> memref<16xf32, #tpu.memory_space<hbm>>
      %dma_wait3A_197 = arith.constant 64 : i32
      %dma_wait3A_198 = tpu.memref_slice %arg17[%dma_wait3A_197] : memref<160xf32, #tpu.memory_space<vmem>> -> memref<16xf32, #tpu.memory_space<vmem>>
      tpu.wait_dma2 semaphore(%run_scoped3A_182 : memref<!tpu.dma_semaphore, #tpu.memory_space<semaphore_mem>>) src(%dma_wait3A_198 : memref<16xf32, #tpu.memory_space<vmem>>) dst(%dma_wait3A_196 : memref<16xf32, #tpu.memory_space<hbm>>)
      tpu.yield
    }) : () -> ()
    %mul3A_167 = arith.constant 16 : i32
    %mul3A_168 = arith.muli %add3A, %mul3A_167 : i32
    %run_scoped3A_169 = arith.constant 5 : i32
    "tpu.region"() ({
      %run_scoped3A_182 = tpu.sem_alloc : memref<!tpu.dma_semaphore, #tpu.memory_space<semaphore_mem>>
      %dma_start3A_183 = arith.constant 80 : i32
      %dma_start3A_184 = tpu.memref_slice %arg17[%dma_start3A_183] : memref<160xf32, #tpu.memory_space<vmem>> -> memref<16xf32, #tpu.memory_space<vmem>>
      %dma_start3A_185 = tpu.memref_slice %arg6[%run_scoped3A_169, %mul3A_168] : memref<10x512xf32, #tpu.memory_space<hbm>> -> memref<1x16xf32, #tpu.memory_space<hbm>>
      %dma_start3A_186 = tpu.memref_squeeze %dma_start3A_185 : memref<1x16xf32, #tpu.memory_space<hbm>> -> memref<16xf32, #tpu.memory_space<hbm>>
      %dma_start3A_187 = tpu.memref_slice %arg6[%run_scoped3A_169, %mul3A_168] : memref<10x512xf32, #tpu.memory_space<hbm>> -> memref<1x16xf32, #tpu.memory_space<hbm>>
      %dma_start3A_188 = tpu.memref_squeeze %dma_start3A_187 : memref<1x16xf32, #tpu.memory_space<hbm>> -> memref<16xf32, #tpu.memory_space<hbm>>
      %dma_start3A_189 = arith.constant 80 : i32
      %dma_start3A_190 = tpu.memref_slice %arg17[%dma_start3A_189] : memref<160xf32, #tpu.memory_space<vmem>> -> memref<16xf32, #tpu.memory_space<vmem>>
      tpu.enqueue_dma source(%dma_start3A_190 : memref<16xf32, #tpu.memory_space<vmem>>) target(%dma_start3A_188 : memref<16xf32, #tpu.memory_space<hbm>>) target_semaphore(%run_scoped3A_182 : memref<!tpu.dma_semaphore, #tpu.memory_space<semaphore_mem>>)
      %dma_wait3A_191 = arith.constant 80 : i32
      %dma_wait3A_192 = tpu.memref_slice %arg17[%dma_wait3A_191] : memref<160xf32, #tpu.memory_space<vmem>> -> memref<16xf32, #tpu.memory_space<vmem>>
      %dma_wait3A_193 = tpu.memref_slice %arg6[%run_scoped3A_169, %mul3A_168] : memref<10x512xf32, #tpu.memory_space<hbm>> -> memref<1x16xf32, #tpu.memory_space<hbm>>
      %dma_wait3A_194 = tpu.memref_squeeze %dma_wait3A_193 : memref<1x16xf32, #tpu.memory_space<hbm>> -> memref<16xf32, #tpu.memory_space<hbm>>
      %dma_wait3A_195 = tpu.memref_slice %arg6[%run_scoped3A_169, %mul3A_168] : memref<10x512xf32, #tpu.memory_space<hbm>> -> memref<1x16xf32, #tpu.memory_space<hbm>>
      %dma_wait3A_196 = tpu.memref_squeeze %dma_wait3A_195 : memref<1x16xf32, #tpu.memory_space<hbm>> -> memref<16xf32, #tpu.memory_space<hbm>>
      %dma_wait3A_197 = arith.constant 80 : i32
      %dma_wait3A_198 = tpu.memref_slice %arg17[%dma_wait3A_197] : memref<160xf32, #tpu.memory_space<vmem>> -> memref<16xf32, #tpu.memory_space<vmem>>
      tpu.wait_dma2 semaphore(%run_scoped3A_182 : memref<!tpu.dma_semaphore, #tpu.memory_space<semaphore_mem>>) src(%dma_wait3A_198 : memref<16xf32, #tpu.memory_space<vmem>>) dst(%dma_wait3A_196 : memref<16xf32, #tpu.memory_space<hbm>>)
      tpu.yield
    }) : () -> ()
    %mul3A_170 = arith.constant 16 : i32
    %mul3A_171 = arith.muli %add3A, %mul3A_170 : i32
    %run_scoped3A_172 = arith.constant 6 : i32
    "tpu.region"() ({
      %run_scoped3A_182 = tpu.sem_alloc : memref<!tpu.dma_semaphore, #tpu.memory_space<semaphore_mem>>
      %dma_start3A_183 = arith.constant 96 : i32
      %dma_start3A_184 = tpu.memref_slice %arg17[%dma_start3A_183] : memref<160xf32, #tpu.memory_space<vmem>> -> memref<16xf32, #tpu.memory_space<vmem>>
      %dma_start3A_185 = tpu.memref_slice %arg6[%run_scoped3A_172, %mul3A_171] : memref<10x512xf32, #tpu.memory_space<hbm>> -> memref<1x16xf32, #tpu.memory_space<hbm>>
      %dma_start3A_186 = tpu.memref_squeeze %dma_start3A_185 : memref<1x16xf32, #tpu.memory_space<hbm>> -> memref<16xf32, #tpu.memory_space<hbm>>
      %dma_start3A_187 = tpu.memref_slice %arg6[%run_scoped3A_172, %mul3A_171] : memref<10x512xf32, #tpu.memory_space<hbm>> -> memref<1x16xf32, #tpu.memory_space<hbm>>
      %dma_start3A_188 = tpu.memref_squeeze %dma_start3A_187 : memref<1x16xf32, #tpu.memory_space<hbm>> -> memref<16xf32, #tpu.memory_space<hbm>>
      %dma_start3A_189 = arith.constant 96 : i32
      %dma_start3A_190 = tpu.memref_slice %arg17[%dma_start3A_189] : memref<160xf32, #tpu.memory_space<vmem>> -> memref<16xf32, #tpu.memory_space<vmem>>
      tpu.enqueue_dma source(%dma_start3A_190 : memref<16xf32, #tpu.memory_space<vmem>>) target(%dma_start3A_188 : memref<16xf32, #tpu.memory_space<hbm>>) target_semaphore(%run_scoped3A_182 : memref<!tpu.dma_semaphore, #tpu.memory_space<semaphore_mem>>)
      %dma_wait3A_191 = arith.constant 96 : i32
      %dma_wait3A_192 = tpu.memref_slice %arg17[%dma_wait3A_191] : memref<160xf32, #tpu.memory_space<vmem>> -> memref<16xf32, #tpu.memory_space<vmem>>
      %dma_wait3A_193 = tpu.memref_slice %arg6[%run_scoped3A_172, %mul3A_171] : memref<10x512xf32, #tpu.memory_space<hbm>> -> memref<1x16xf32, #tpu.memory_space<hbm>>
      %dma_wait3A_194 = tpu.memref_squeeze %dma_wait3A_193 : memref<1x16xf32, #tpu.memory_space<hbm>> -> memref<16xf32, #tpu.memory_space<hbm>>
      %dma_wait3A_195 = tpu.memref_slice %arg6[%run_scoped3A_172, %mul3A_171] : memref<10x512xf32, #tpu.memory_space<hbm>> -> memref<1x16xf32, #tpu.memory_space<hbm>>
      %dma_wait3A_196 = tpu.memref_squeeze %dma_wait3A_195 : memref<1x16xf32, #tpu.memory_space<hbm>> -> memref<16xf32, #tpu.memory_space<hbm>>
      %dma_wait3A_197 = arith.constant 96 : i32
      %dma_wait3A_198 = tpu.memref_slice %arg17[%dma_wait3A_197] : memref<160xf32, #tpu.memory_space<vmem>> -> memref<16xf32, #tpu.memory_space<vmem>>
      tpu.wait_dma2 semaphore(%run_scoped3A_182 : memref<!tpu.dma_semaphore, #tpu.memory_space<semaphore_mem>>) src(%dma_wait3A_198 : memref<16xf32, #tpu.memory_space<vmem>>) dst(%dma_wait3A_196 : memref<16xf32, #tpu.memory_space<hbm>>)
      tpu.yield
    }) : () -> ()
    %mul3A_173 = arith.constant 16 : i32
    %mul3A_174 = arith.muli %add3A, %mul3A_173 : i32
    %run_scoped3A_175 = arith.constant 7 : i32
    "tpu.region"() ({
      %run_scoped3A_182 = tpu.sem_alloc : memref<!tpu.dma_semaphore, #tpu.memory_space<semaphore_mem>>
      %dma_start3A_183 = arith.constant 112 : i32
      %dma_start3A_184 = tpu.memref_slice %arg17[%dma_start3A_183] : memref<160xf32, #tpu.memory_space<vmem>> -> memref<16xf32, #tpu.memory_space<vmem>>
      %dma_start3A_185 = tpu.memref_slice %arg6[%run_scoped3A_175, %mul3A_174] : memref<10x512xf32, #tpu.memory_space<hbm>> -> memref<1x16xf32, #tpu.memory_space<hbm>>
      %dma_start3A_186 = tpu.memref_squeeze %dma_start3A_185 : memref<1x16xf32, #tpu.memory_space<hbm>> -> memref<16xf32, #tpu.memory_space<hbm>>
      %dma_start3A_187 = tpu.memref_slice %arg6[%run_scoped3A_175, %mul3A_174] : memref<10x512xf32, #tpu.memory_space<hbm>> -> memref<1x16xf32, #tpu.memory_space<hbm>>
      %dma_start3A_188 = tpu.memref_squeeze %dma_start3A_187 : memref<1x16xf32, #tpu.memory_space<hbm>> -> memref<16xf32, #tpu.memory_space<hbm>>
      %dma_start3A_189 = arith.constant 112 : i32
      %dma_start3A_190 = tpu.memref_slice %arg17[%dma_start3A_189] : memref<160xf32, #tpu.memory_space<vmem>> -> memref<16xf32, #tpu.memory_space<vmem>>
      tpu.enqueue_dma source(%dma_start3A_190 : memref<16xf32, #tpu.memory_space<vmem>>) target(%dma_start3A_188 : memref<16xf32, #tpu.memory_space<hbm>>) target_semaphore(%run_scoped3A_182 : memref<!tpu.dma_semaphore, #tpu.memory_space<semaphore_mem>>)
      %dma_wait3A_191 = arith.constant 112 : i32
      %dma_wait3A_192 = tpu.memref_slice %arg17[%dma_wait3A_191] : memref<160xf32, #tpu.memory_space<vmem>> -> memref<16xf32, #tpu.memory_space<vmem>>
      %dma_wait3A_193 = tpu.memref_slice %arg6[%run_scoped3A_175, %mul3A_174] : memref<10x512xf32, #tpu.memory_space<hbm>> -> memref<1x16xf32, #tpu.memory_space<hbm>>
      %dma_wait3A_194 = tpu.memref_squeeze %dma_wait3A_193 : memref<1x16xf32, #tpu.memory_space<hbm>> -> memref<16xf32, #tpu.memory_space<hbm>>
      %dma_wait3A_195 = tpu.memref_slice %arg6[%run_scoped3A_175, %mul3A_174] : memref<10x512xf32, #tpu.memory_space<hbm>> -> memref<1x16xf32, #tpu.memory_space<hbm>>
      %dma_wait3A_196 = tpu.memref_squeeze %dma_wait3A_195 : memref<1x16xf32, #tpu.memory_space<hbm>> -> memref<16xf32, #tpu.memory_space<hbm>>
      %dma_wait3A_197 = arith.constant 112 : i32
      %dma_wait3A_198 = tpu.memref_slice %arg17[%dma_wait3A_197] : memref<160xf32, #tpu.memory_space<vmem>> -> memref<16xf32, #tpu.memory_space<vmem>>
      tpu.wait_dma2 semaphore(%run_scoped3A_182 : memref<!tpu.dma_semaphore, #tpu.memory_space<semaphore_mem>>) src(%dma_wait3A_198 : memref<16xf32, #tpu.memory_space<vmem>>) dst(%dma_wait3A_196 : memref<16xf32, #tpu.memory_space<hbm>>)
      tpu.yield
    }) : () -> ()
    %mul3A_176 = arith.constant 16 : i32
    %mul3A_177 = arith.muli %add3A, %mul3A_176 : i32
    %run_scoped3A_178 = arith.constant 8 : i32
    "tpu.region"() ({
      %run_scoped3A_182 = tpu.sem_alloc : memref<!tpu.dma_semaphore, #tpu.memory_space<semaphore_mem>>
      %dma_start3A_183 = arith.constant 128 : i32
      %dma_start3A_184 = tpu.memref_slice %arg17[%dma_start3A_183] : memref<160xf32, #tpu.memory_space<vmem>> -> memref<16xf32, #tpu.memory_space<vmem>>
      %dma_start3A_185 = tpu.memref_slice %arg6[%run_scoped3A_178, %mul3A_177] : memref<10x512xf32, #tpu.memory_space<hbm>> -> memref<1x16xf32, #tpu.memory_space<hbm>>
      %dma_start3A_186 = tpu.memref_squeeze %dma_start3A_185 : memref<1x16xf32, #tpu.memory_space<hbm>> -> memref<16xf32, #tpu.memory_space<hbm>>
      %dma_start3A_187 = tpu.memref_slice %arg6[%run_scoped3A_178, %mul3A_177] : memref<10x512xf32, #tpu.memory_space<hbm>> -> memref<1x16xf32, #tpu.memory_space<hbm>>
      %dma_start3A_188 = tpu.memref_squeeze %dma_start3A_187 : memref<1x16xf32, #tpu.memory_space<hbm>> -> memref<16xf32, #tpu.memory_space<hbm>>
      %dma_start3A_189 = arith.constant 128 : i32
      %dma_start3A_190 = tpu.memref_slice %arg17[%dma_start3A_189] : memref<160xf32, #tpu.memory_space<vmem>> -> memref<16xf32, #tpu.memory_space<vmem>>
      tpu.enqueue_dma source(%dma_start3A_190 : memref<16xf32, #tpu.memory_space<vmem>>) target(%dma_start3A_188 : memref<16xf32, #tpu.memory_space<hbm>>) target_semaphore(%run_scoped3A_182 : memref<!tpu.dma_semaphore, #tpu.memory_space<semaphore_mem>>)
      %dma_wait3A_191 = arith.constant 128 : i32
      %dma_wait3A_192 = tpu.memref_slice %arg17[%dma_wait3A_191] : memref<160xf32, #tpu.memory_space<vmem>> -> memref<16xf32, #tpu.memory_space<vmem>>
      %dma_wait3A_193 = tpu.memref_slice %arg6[%run_scoped3A_178, %mul3A_177] : memref<10x512xf32, #tpu.memory_space<hbm>> -> memref<1x16xf32, #tpu.memory_space<hbm>>
      %dma_wait3A_194 = tpu.memref_squeeze %dma_wait3A_193 : memref<1x16xf32, #tpu.memory_space<hbm>> -> memref<16xf32, #tpu.memory_space<hbm>>
      %dma_wait3A_195 = tpu.memref_slice %arg6[%run_scoped3A_178, %mul3A_177] : memref<10x512xf32, #tpu.memory_space<hbm>> -> memref<1x16xf32, #tpu.memory_space<hbm>>
      %dma_wait3A_196 = tpu.memref_squeeze %dma_wait3A_195 : memref<1x16xf32, #tpu.memory_space<hbm>> -> memref<16xf32, #tpu.memory_space<hbm>>
      %dma_wait3A_197 = arith.constant 128 : i32
      %dma_wait3A_198 = tpu.memref_slice %arg17[%dma_wait3A_197] : memref<160xf32, #tpu.memory_space<vmem>> -> memref<16xf32, #tpu.memory_space<vmem>>
      tpu.wait_dma2 semaphore(%run_scoped3A_182 : memref<!tpu.dma_semaphore, #tpu.memory_space<semaphore_mem>>) src(%dma_wait3A_198 : memref<16xf32, #tpu.memory_space<vmem>>) dst(%dma_wait3A_196 : memref<16xf32, #tpu.memory_space<hbm>>)
      tpu.yield
    }) : () -> ()
    %mul3A_179 = arith.constant 16 : i32
    %mul3A_180 = arith.muli %add3A, %mul3A_179 : i32
    %run_scoped3A_181 = arith.constant 9 : i32
    "tpu.region"() ({
      %run_scoped3A_182 = tpu.sem_alloc : memref<!tpu.dma_semaphore, #tpu.memory_space<semaphore_mem>>
      %dma_start3A_183 = arith.constant 144 : i32
      %dma_start3A_184 = tpu.memref_slice %arg17[%dma_start3A_183] : memref<160xf32, #tpu.memory_space<vmem>> -> memref<16xf32, #tpu.memory_space<vmem>>
      %dma_start3A_185 = tpu.memref_slice %arg6[%run_scoped3A_181, %mul3A_180] : memref<10x512xf32, #tpu.memory_space<hbm>> -> memref<1x16xf32, #tpu.memory_space<hbm>>
      %dma_start3A_186 = tpu.memref_squeeze %dma_start3A_185 : memref<1x16xf32, #tpu.memory_space<hbm>> -> memref<16xf32, #tpu.memory_space<hbm>>
      %dma_start3A_187 = tpu.memref_slice %arg6[%run_scoped3A_181, %mul3A_180] : memref<10x512xf32, #tpu.memory_space<hbm>> -> memref<1x16xf32, #tpu.memory_space<hbm>>
      %dma_start3A_188 = tpu.memref_squeeze %dma_start3A_187 : memref<1x16xf32, #tpu.memory_space<hbm>> -> memref<16xf32, #tpu.memory_space<hbm>>
      %dma_start3A_189 = arith.constant 144 : i32
      %dma_start3A_190 = tpu.memref_slice %arg17[%dma_start3A_189] : memref<160xf32, #tpu.memory_space<vmem>> -> memref<16xf32, #tpu.memory_space<vmem>>
      tpu.enqueue_dma source(%dma_start3A_190 : memref<16xf32, #tpu.memory_space<vmem>>) target(%dma_start3A_188 : memref<16xf32, #tpu.memory_space<hbm>>) target_semaphore(%run_scoped3A_182 : memref<!tpu.dma_semaphore, #tpu.memory_space<semaphore_mem>>)
      %dma_wait3A_191 = arith.constant 144 : i32
      %dma_wait3A_192 = tpu.memref_slice %arg17[%dma_wait3A_191] : memref<160xf32, #tpu.memory_space<vmem>> -> memref<16xf32, #tpu.memory_space<vmem>>
      %dma_wait3A_193 = tpu.memref_slice %arg6[%run_scoped3A_181, %mul3A_180] : memref<10x512xf32, #tpu.memory_space<hbm>> -> memref<1x16xf32, #tpu.memory_space<hbm>>
      %dma_wait3A_194 = tpu.memref_squeeze %dma_wait3A_193 : memref<1x16xf32, #tpu.memory_space<hbm>> -> memref<16xf32, #tpu.memory_space<hbm>>
      %dma_wait3A_195 = tpu.memref_slice %arg6[%run_scoped3A_181, %mul3A_180] : memref<10x512xf32, #tpu.memory_space<hbm>> -> memref<1x16xf32, #tpu.memory_space<hbm>>
      %dma_wait3A_196 = tpu.memref_squeeze %dma_wait3A_195 : memref<1x16xf32, #tpu.memory_space<hbm>> -> memref<16xf32, #tpu.memory_space<hbm>>
      %dma_wait3A_197 = arith.constant 144 : i32
      %dma_wait3A_198 = tpu.memref_slice %arg17[%dma_wait3A_197] : memref<160xf32, #tpu.memory_space<vmem>> -> memref<16xf32, #tpu.memory_space<vmem>>
      tpu.wait_dma2 semaphore(%run_scoped3A_182 : memref<!tpu.dma_semaphore, #tpu.memory_space<semaphore_mem>>) src(%dma_wait3A_198 : memref<16xf32, #tpu.memory_space<vmem>>) dst(%dma_wait3A_196 : memref<16xf32, #tpu.memory_space<hbm>>)
      tpu.yield
    }) : () -> ()
    return
  }
}

module attributes {stable_mosaic.version = 14 : i64} {
  func.func @_combine_body(%arg0: memref<10x512xf32, #tpu.memory_space<vmem>>, %arg1: memref<1xf32, #tpu.memory_space<vmem>>, %arg2: memref<1xf32, #tpu.memory_space<vmem>>, %arg3: memref<1xf32, #tpu.memory_space<vmem>>, %arg4: memref<1x1xf32, #tpu.memory_space<vmem>>) attributes {dimension_semantics = [], scalar_prefetch = 0 : i64, scratch_operands = 0 : i64, tpu.core_type = #tpu.core_type<tc>} {
    %get3A = arith.constant 0 : index
    %get3A_0 = arith.constant 0 : index
    %get3A_1 = vector.load %arg0[%get3A, %get3A_0] : memref<10x512xf32, #tpu.memory_space<vmem>>, vector<10x512xf32>
    %reduce_sum3A = arith.constant dense<0.000000e+00> : vector<10xf32>
    %reduce_sum3A_2 = vector.multi_reduction <add>, %get3A_1, %reduce_sum3A [1] : vector<10x512xf32> to vector<10xf32>
    %broadcast_in_dim3A = vector.shape_cast %reduce_sum3A_2 : vector<10xf32> to vector<10x1xf32>
    %slice3A = vector.extract_strided_slice %broadcast_in_dim3A {offsets = [0, 0], sizes = [1, 1], strides = [1, 1]} : vector<10x1xf32> to vector<1x1xf32>
    %slice3A_3 = vector.extract_strided_slice %broadcast_in_dim3A {offsets = [1, 0], sizes = [1, 1], strides = [1, 1]} : vector<10x1xf32> to vector<1x1xf32>
    %slice3A_4 = vector.extract_strided_slice %broadcast_in_dim3A {offsets = [2, 0], sizes = [1, 1], strides = [1, 1]} : vector<10x1xf32> to vector<1x1xf32>
    %slice3A_5 = vector.extract_strided_slice %broadcast_in_dim3A {offsets = [3, 0], sizes = [1, 1], strides = [1, 1]} : vector<10x1xf32> to vector<1x1xf32>
    %slice3A_6 = vector.extract_strided_slice %broadcast_in_dim3A {offsets = [4, 0], sizes = [1, 1], strides = [1, 1]} : vector<10x1xf32> to vector<1x1xf32>
    %slice3A_7 = vector.extract_strided_slice %broadcast_in_dim3A {offsets = [5, 0], sizes = [1, 1], strides = [1, 1]} : vector<10x1xf32> to vector<1x1xf32>
    %slice3A_8 = vector.extract_strided_slice %broadcast_in_dim3A {offsets = [6, 0], sizes = [1, 1], strides = [1, 1]} : vector<10x1xf32> to vector<1x1xf32>
    %slice3A_9 = vector.extract_strided_slice %broadcast_in_dim3A {offsets = [7, 0], sizes = [1, 1], strides = [1, 1]} : vector<10x1xf32> to vector<1x1xf32>
    %slice3A_10 = vector.extract_strided_slice %broadcast_in_dim3A {offsets = [8, 0], sizes = [1, 1], strides = [1, 1]} : vector<10x1xf32> to vector<1x1xf32>
    %slice3A_11 = vector.extract_strided_slice %broadcast_in_dim3A {offsets = [9, 0], sizes = [1, 1], strides = [1, 1]} : vector<10x1xf32> to vector<1x1xf32>
    %get3A_12 = arith.constant 0 : index
    %get3A_13 = vector.load %arg1[%get3A_12] : memref<1xf32, #tpu.memory_space<vmem>>, vector<1xf32>
    %reshape3A = vector.shape_cast %get3A_13 : vector<1xf32> to vector<1x1xf32>
    %get3A_14 = arith.constant 0 : index
    %get3A_15 = vector.load %arg2[%get3A_14] : memref<1xf32, #tpu.memory_space<vmem>>, vector<1xf32>
    %reshape3A_16 = vector.shape_cast %get3A_15 : vector<1xf32> to vector<1x1xf32>
    %get3A_17 = arith.constant 0 : index
    %get3A_18 = vector.load %arg3[%get3A_17] : memref<1xf32, #tpu.memory_space<vmem>>, vector<1xf32>
    %reshape3A_19 = vector.shape_cast %get3A_18 : vector<1xf32> to vector<1x1xf32>
    %mul3A = arith.mulf %reshape3A, %slice3A_6 : vector<1x1xf32>
    %sub3A = arith.subf %slice3A_4, %mul3A : vector<1x1xf32>
    %mul3A_20 = arith.constant 2.000000e-01 : f32
    %mul3A_21 = vector.broadcast %mul3A_20 : f32 to vector<1x1xf32>
    %mul3A_22 = arith.mulf %mul3A_21, %sub3A : vector<1x1xf32>
    %div3A = arith.divf %mul3A_22, %slice3A : vector<1x1xf32>
    %mul3A_23 = arith.mulf %reshape3A_16, %slice3A_7 : vector<1x1xf32>
    %sub3A_24 = arith.subf %slice3A_5, %mul3A_23 : vector<1x1xf32>
    %mul3A_25 = arith.constant 2.000000e-01 : f32
    %mul3A_26 = vector.broadcast %mul3A_25 : f32 to vector<1x1xf32>
    %mul3A_27 = arith.mulf %mul3A_26, %sub3A_24 : vector<1x1xf32>
    %div3A_28 = arith.divf %mul3A_27, %slice3A_3 : vector<1x1xf32>
    %add3A = arith.addf %div3A, %div3A_28 : vector<1x1xf32>
    %mul3A_29 = arith.constant 1.000000e-01 : f32
    %mul3A_30 = vector.broadcast %mul3A_29 : f32 to vector<1x1xf32>
    %mul3A_31 = arith.mulf %reshape3A_19, %mul3A_30 : vector<1x1xf32>
    %div3A_32 = arith.divf %slice3A_7, %slice3A_3 : vector<1x1xf32>
    %div3A_33 = arith.divf %slice3A_6, %slice3A : vector<1x1xf32>
    %sub3A_34 = arith.subf %div3A_32, %div3A_33 : vector<1x1xf32>
    %mul3A_35 = arith.mulf %mul3A_31, %sub3A_34 : vector<1x1xf32>
    %add3A_36 = arith.addf %add3A, %mul3A_35 : vector<1x1xf32>
    %mul3A_37 = arith.constant 2.000000e+00 : f32
    %mul3A_38 = vector.broadcast %mul3A_37 : f32 to vector<1x1xf32>
    %mul3A_39 = arith.mulf %mul3A_38, %reshape3A : vector<1x1xf32>
    %mul3A_40 = arith.mulf %mul3A_39, %slice3A_10 : vector<1x1xf32>
    %sub3A_41 = arith.subf %slice3A_8, %mul3A_40 : vector<1x1xf32>
    %mul3A_42 = arith.mulf %reshape3A, %reshape3A : vector<1x1xf32>
    %mul3A_43 = arith.mulf %mul3A_42, %slice3A : vector<1x1xf32>
    %add3A_44 = arith.addf %sub3A_41, %mul3A_43 : vector<1x1xf32>
    %div3A_45 = arith.divf %add3A_44, %slice3A : vector<1x1xf32>
    %add3A_46 = arith.addf %add3A_36, %div3A_45 : vector<1x1xf32>
    %mul3A_47 = arith.constant 2.000000e+00 : f32
    %mul3A_48 = vector.broadcast %mul3A_47 : f32 to vector<1x1xf32>
    %mul3A_49 = arith.mulf %mul3A_48, %reshape3A_16 : vector<1x1xf32>
    %mul3A_50 = arith.mulf %mul3A_49, %slice3A_11 : vector<1x1xf32>
    %sub3A_51 = arith.subf %slice3A_9, %mul3A_50 : vector<1x1xf32>
    %mul3A_52 = arith.mulf %reshape3A_16, %reshape3A_16 : vector<1x1xf32>
    %mul3A_53 = arith.mulf %mul3A_52, %slice3A_3 : vector<1x1xf32>
    %add3A_54 = arith.addf %sub3A_51, %mul3A_53 : vector<1x1xf32>
    %div3A_55 = arith.divf %add3A_54, %slice3A_3 : vector<1x1xf32>
    %add3A_56 = arith.addf %add3A_46, %div3A_55 : vector<1x1xf32>
    %swap3A = arith.constant 0 : index
    %swap3A_57 = arith.constant 0 : index
    %swap3A_58 = vector.load %arg4[%swap3A, %swap3A_57] : memref<1x1xf32, #tpu.memory_space<vmem>>, vector<1x1xf32>
    tpu.vector_store %arg4[%swap3A, %swap3A_57], %add3A_56 {strides = array<i32>} : memref<1x1xf32, #tpu.memory_space<vmem>>, vector<1x1xf32>,
    return
  }
}

</mosaic_0001>

<sc_bundles>
// kernel: kernel.4.cloned.1.call-start
scs
__scs_entry_jumppad:
0x0: {  	(pc) =	sbr.rel $0x88, $3  }
0x1: {  	(tag) =	ssettag $0x0;
	lr =	simm.s32 $0x1  }
0x2: {  	[smem:$0x3F9A] =	sst lr;
	_ =	strace $0xD0000000  }
0x3: {  	_ = 	snop  }
0x4: {  	_ = 	snop  }
0x5: {  	_ = 	snop  }
0x6: {  	_ = 	snop  }
0x7: {  	_ = 	snop  }
__scs_overlays_trampoline_lowered:
0x8: {  	[smem:$0x3FA9] =	sst s0  }
0x9: {  	[smem:$0x3FAA] =	sst s1  }
0xa: {  	[smem:$0x3FAB] =	sst s2  }
0xb: {  	[smem:$0x3FAC] =	sst s3  }
0xc: {  	[smem:$0x3FAD] =	sst s4  }
0xd: {  	[smem:$0x3FAE] =	sst s5  }
0xe: {  	[smem:$0x3FAF] =	sst s6  }
0xf: {  	[smem:$0x3FB0] =	sst s7  }
0x10: {  	[smem:$0x3FB1] =	sst s8  }
0x11: {  	[smem:$0x3FB2] =	sst s9;
	s0 =	simm.s32 @!p0 $0x0  }
0x12: {  	s1 =	sld [smem:$0x3F98];
	s0 =	simm.s32 @p0 $0x1  }
0x13: {  	[smem:$0x3FB3] =	sst s0;
	s0 =	simm.s32 @!p1 $0x0  }
0x14: {  	s2 =	sld [smem:$0x3F97];
	s0 =	simm.s32 @p1 $0x1  }
0x15: {  	[smem:$0x3FB4] =	sst s0;
	s0 =	simm.s32 @!p2 $0x0  }
0x16: {  	s3 =	sld [smem:$0x3FDB];
	s0 =	simm.s32 @p2 $0x1  }
0x17: {  	s4 =	simm.s32 $0x1BF5;
	[smem:$0x3FB6] =	sst s0  }
0x18: {  	s0 =	sld [smem:$0x3F99];
	_ =	swait.ge [sflag:s4], $0x0  }
0x19: {  	s7 =	sld [smem:$0x3F9A]  }
0x1a: {  	s8 =	sadd.s32 $0xFFFFE003, lr  }
0x1b: {  	s9 =	sadd.s32 $0xFFFFFEF7, lr;
	s5 =	simm.s32 $0xFFFFFFFF;
	p2 =	slt.u32 s8, $0xFFFFF086  }
0x1c: {  	p1 =	slt.u32 s9, $0xF7A;
	s5 =	simm.s32 @!p2 $0x0  }
0x1d: {  	s5 =	simm.s32 @p1 $0x1;
	p0 =	seq.s32 s7, s2  }
0x1e: {  	s7 =	smul.u32 @!p0 $0xF7A, s2;
	p2 =	seq.s32 @!p0 s5, $0x0  }
0x1f: {  	s9 =	smul.u32 $0xF7A, s1;
	s8 =	simm.s32 @!p0 $0x1BF5;
	p2 =	por !p2, p0  }
0x20: {  	[sflag:s8] =	ssyncset.s32 @!p0 $0xFFFFF086;
	s6 =	sadd.s32 @!p0 s3, s7;
	s7 =	simm.s32 @!p0 $0x108  }
0x21: {  	s3 =	sadd.s32 s3, s9;
	s6 =	sadd.s32 @!p0 $0x88, s6;
	s7 =	simm.s32 @p2 $0x1082  }
0x22: {  	[simem:s7], [sflag:s8] =	dma.local @!p0 [hbm:s6], $0xF7A  }
0x23: {  	s9 =	sor.u32 $0xD0000000, s2;
	s6 =	simm.s32 $0x108;
	_ =	swait.ge @!p0 [sflag:s8], $0x0  }
0x24: {  	s3 =	sadd.s32 $0x88, s3;
	s6 =	simm.s32 @!p1 $0x1082;
	[sflag:s4] =	ssyncset.s32 $0xFFFFF086  }
0x25: {  	[simem:s6], [sflag:s4] =	dma.local [hbm:s3], $0xF7A  }
0x26: {  	[smem:$0x3F9A] =	sst s1;
	(tag) =	ssettag s2;
	_ =	strace s9  }
0x27: {  	s1 =	sld [smem:$0x3FAA]  }
0x28: {  	s2 =	sld [smem:$0x3FAB]  }
0x29: {  	s4 =	sld [smem:$0x3FAD]  }
0x2a: {  	p0 =	seq.s32 s5, $0x0;
	s5 =	sld [smem:$0x3FAE]  }
0x2b: {  	s6 =	sld [smem:$0x3FAF]  }
0x2c: {  	s7 =	sld [smem:$0x3FB0]  }
0x2d: {  	s3 =	simm.s32 $0x108;
	s8 =	sld [smem:$0x3FB1]  }
0x2e: {  	s3 =	simm.s32 @!p0 $0x1082;
	s9 =	sld [smem:$0x3FB2]  }
0x2f: {  	lr =	sadd.s32 s0, s3;
	s0 =	sld [smem:$0x3FA9]  }
0x30: {  	s3 =	sld [smem:$0x3FAC]  }
0x31: {  	[smem:$0x3FB5] =	sst s10  }
0x32: {  	s10 =	sld [smem:$0x3FB3];
	_ =	sdelay $0x3  }
0x33: {  	p0 =	seq.s32 s10, $0x1;
	s10 =	sld [smem:$0x3FB5];
	_ =	sdelay $0x3  }
0x34: {  	[smem:$0x3FB5] =	sst s10  }
0x35: {  	s10 =	sld [smem:$0x3FB4];
	_ =	sdelay $0x3  }
0x36: {  	p1 =	seq.s32 s10, $0x1;
	s10 =	sld [smem:$0x3FB5];
	_ =	sdelay $0x3  }
0x37: {  	[smem:$0x3FB5] =	sst s10  }
0x38: {  	s10 =	sld [smem:$0x3FB6]  }
0x39: {  	_ = 	snop;
	(pc) =	sbr.ind lr, $3  }
0x3a: {  	_ = 	snop  }
0x3b: {  	_ = 	snop  }
0x3c: {  	p2 =	seq.s32 s10, $0x1;
	s10 =	sld [smem:$0x3FB5]  }
0x3d: {  	_ =	shalt  }
0x3e: {  	_ =	shalt  }
0x3f: {  	_ =	shalt  }
0x40: {  	_ =	shalt  }
0x41: {  	_ =	shalt  }
0x42: {  	_ =	shalt  }
0x43: {  	_ =	shalt  }
0x44: {  	_ =	shalt  }
0x45: {  	_ =	shalt  }
0x46: {  	_ =	shalt  }
0x47: {  	_ =	shalt  }
0x48: {  	_ =	shalt  }
0x49: {  	_ =	shalt  }
0x4a: {  	_ =	shalt  }
0x4b: {  	_ =	shalt  }
0x4c: {  	_ =	shalt  }
0x4d: {  	_ =	shalt  }
0x4e: {  	_ =	shalt  }
0x4f: {  	_ =	shalt  }
0x50: {  	_ =	shalt  }
0x51: {  	_ =	shalt  }
0x52: {  	_ =	shalt  }
0x53: {  	_ =	shalt  }
0x54: {  	_ =	shalt  }
0x55: {  	_ =	shalt  }
0x56: {  	_ =	shalt  }
0x57: {  	_ =	shalt  }
0x58: {  	_ =	shalt  }
0x59: {  	_ =	shalt  }
0x5a: {  	_ =	shalt  }
0x5b: {  	_ =	shalt  }
0x5c: {  	_ =	shalt  }
0x5d: {  	_ =	shalt  }
0x5e: {  	_ =	shalt  }
0x5f: {  	_ =	shalt  }
0x60: {  	_ =	shalt  }
0x61: {  	_ =	shalt  }
0x62: {  	_ =	shalt  }
0x63: {  	_ =	shalt  }
0x64: {  	_ =	shalt  }
0x65: {  	_ =	shalt  }
0x66: {  	_ =	shalt  }
0x67: {  	_ =	shalt  }
0x68: {  	_ =	shalt  }
0x69: {  	_ =	shalt  }
0x6a: {  	_ =	shalt  }
0x6b: {  	_ =	shalt  }
0x6c: {  	_ =	shalt  }
0x6d: {  	_ =	shalt  }
0x6e: {  	_ =	shalt  }
0x6f: {  	_ =	shalt  }
0x70: {  	_ =	shalt  }
0x71: {  	_ =	shalt  }
0x72: {  	_ =	shalt  }
0x73: {  	_ =	shalt  }
0x74: {  	_ =	shalt  }
0x75: {  	_ =	shalt  }
0x76: {  	_ =	shalt  }
0x77: {  	_ =	shalt  }
0x78: {  	_ =	shalt  }
0x79: {  	_ =	shalt  }
0x7a: {  	_ =	shalt  }
0x7b: {  	_ =	shalt  }
0x7c: {  	_ =	shalt  }
0x7d: {  	_ =	shalt  }
0x7e: {  	_ =	shalt  }
0x7f: {  	_ =	shalt  }
0x80: {  	_ =	shalt  }
0x81: {  	_ =	shalt  }
0x82: {  	_ =	shalt  }
0x83: {  	_ =	shalt  }
0x84: {  	_ =	shalt  }
0x85: {  	_ =	shalt  }
0x86: {  	_ =	shalt  }
0x87: {  	_ =	shalt  }
.Lfunc_end0:
.L_simem_size_0:
called_computation_lowered:
.L_overlay_start_0:
0x88: {  	s2 =	sld [smem:$0x3FD9]  }
0x89: {  	s3 =	sld [smem:$0x3FFE];
	_ =	sdelay $0x1  }
0x8a: {  	s1 =	srdreg.scid  }
0x8b: {  	s0 =	sand.u32 $0x1, s1  }
0x8c: {  	s17 =	sshll.u32 s0, $0xA;
	s2 =	sadd.s32 s3, s2  }
0x8d: {  	s2 =	sadd.s32 s2, s17  }
0x8e: {  	[smem:$0x3FC1] =	sst s2  }
0x8f: {  	_ = 	snop  }
0x90: {  	s2 =	sld [smem:$0x3FC9]  }
0x91: {  	s18 =	sld [smem:$0x3FC4]  }
0x92: {  	s4 =	sld [smem:$0x3FC3];
	(tm) =	ssettm $0x1  }
0x93: {  	s5 =	sld [smem:$0x3FFB];
	_ =	sdelay $0x3  }
0x94: {  	_ =	strace s5  }
0x95: {  	s5 =	sld [smem:$0x3FFC];
	_ =	sdelay $0x3  }
0x96: {  	_ =	strace s5  }
0x97: {  	s5 =	sld [smem:$0x3FFD];
	_ =	sdelay $0x3  }
0x98: {  	_ =	strace s5  }
0x99: {  	_ =	strace $0x8FFFFFFF  }
0x9a: {  	s19 =	sld [smem:$0x3FDB];
	_ =	sdelay $0x1  }
0x9b: {  	s6 =	simm.s32 $_scs_section_size  }
0x9c: {  	s7 =	simm.s32 $_size__tile_overlayer_lowered;
	s8 =	simm.s32 $_tile_overlayer_lowered  }
0x9d: {  	s22 =	simm.s32 $0x1BFF;
	s21 =	sshll.u32 s8, $0x1;
	s5 =	sadd.s32 s6, s19  }
0x9e: {  	s9 =	simm.s32 $0x0;
	s20 =	sshll.u32 s7, $0x1;
	s7 =	sadd.s32 s21, s5  }
0x9f: {  	[timem:s9], [sflag:s22] =	dma.local [hbm:s7], s20  }
0xa0: {  	_ =	swait.ge [sflag:s22], s20  }
0xa1: {  	s6 =	ssub.s32 $0x0, s20;
	[sflag:s22] =	ssyncset.done $0x0  }
0xa2: {  	[sflag:s22] =	ssyncadd.s32 s6;
	_ =	sdelay $0x1  }
0xa3: {  	s23 =	simm.s32 $0x1B8B  }
0xa4: {  	_ =	swait.ge [sflag:s23], $0x1  }
0xa5: {  	[sflag:s23] =	ssyncset.done $0x0  }
0xa6: {  	s25 =	simm.s32 $0x1B8E;
	s24 =	sld [smem:$0x3FFE];
	[sflag:s23] =	ssyncadd.s32 $0xFFFFFFFF  }
0xa7: {  	s26 =	simm.s32 $execute0_lowered;
	[smem:$0x3FD2] =	sst s25  }
0xa8: {  	s7 =	sshll.u32 s26, $0x1;
	_ =	strace $0x80000046;
	[dreg:$0x1] =	wrdreg $0xFFFFFFFF  }
0xa9: {  	s28 =	simm.s32 $_size_execute0_lowered;
	s5 =	sadd.s32 s5, s7;
	[dreg:$0x0] =	wrdreg $0x0  }
0xaa: {  	s7 =	sshll.u32 s28, $0x1;
	[dreg:$0x2] =	wrdreg s5  }
0xab: {  	[dreg:$0x3] =	wrdreg s7  }
0xac: {  	[dreg:$0x4] =	wrdreg $0xC0  }
0xad: {  	_ =	task [dreg:s9], $0x5FFFF  }
0xae: {  	[dreg:$0x1] =	wrdreg $0xFFFFFFFF  }
0xaf: {  	[dreg:$0x0] =	wrdreg $0x60  }
0xb0: {  	[dreg:$0x2] =	wrdreg s2  }
0xb1: {  	[dreg:$0x3] =	wrdreg s24  }
0xb2: {  	[dreg:$0x4] =	wrdreg s18  }
0xb3: {  	[dreg:$0x5] =	wrdreg s4  }
0xb4: {  	[dreg:$0x6] =	wrdreg $0x9  }
0xb5: {  	_ =	task.clear_ibuf [dreg:s9], $0x7FFFF;
	_ =	strace $0x90000046  }
0xb6: {  	s29 =	simm.s32 $0x9;
	_ =	strace $0x80000048  }
0xb7: {  	_ =	swait.ge [sflag:s29], $0x1  }
0xb8: {  	[sflag:s29] =	ssyncadd.s32 $0xFFFFFFFF  }
0xb9: {  	_ =	strace $0x90000048  }
0xba: {  	_ =	sfence  }
0xbb: {  	s30 =	sld [smem:$0x0];
	_ =	sdelay $0x2  }
0xbc: {  	s31 =	sshll.u32 s1, $0xD;
	s1 =	sshrl.u32 s1, $0x2  }
0xbd: {  	s3 =	sand.u32 $0x4000, s31;
	s1 =	sadd.s32 s1, s30  }
0xbe: {  	s0 =	sor.u32 s3, s0;
	s1 =	sshll.u32 s1, $0x11  }
0xbf: {  	s0 =	sor.u32 s1, s0  }
0xc0: {  	s0 =	sadd.s32 $0x8F2B, s0  }
0xc1: {  	[sflag:s0] =	ssyncadd.remote.s32 $0x1  }
0xc2: {  	_ =	sfence.sel $0xFFFF  }
0xc3: {  	[dreg:$0x0] =	wrdreg $0xFFFFFFFF;
	(pc) =	sbr.abs _section_cstart, $3  }
0xc4: {  	[dreg:$0x1] =	wrdreg $0xFFFFFFFF  }
0xc5: {  	_ =	task.clear_ibuf [dreg:s9], $0x2FFFF;
	_ =	strace $0x9FFFFFFF  }
0xc6: {  	(tm) =	ssettm $0x7FFFFFFF  }
0xc7: {  	_ =	shalt  }
tec
execute0_lowered:
.L_overlay_start_1:
0x0: {  	(tag) =	ssettag $0x1  }
0x1: {  	s12 =	rddreg [dreg:$0x0]  }
0x2: {  	s0 =	rddreg [dreg:$0x1]  }
0x3: {  	s1 =	rddreg [dreg:$0x2]  }
0x4: {  	s11 =	rddreg [dreg:$0x3];
	s3 =	simm.s32 $0x0;
	s2 =	srdreg.scid  }
0x5: {  	s9 =	stileid.u32;
	s28 =	simm.s32 $0x8000;
	s29 =	simm.s32 $0x2  }
0x6: {  	s30 =	simm.s32 $0x80;
	s31 =	simm.s32 $0x18110;
	[smem:$0x7FF] =	sst s3  }
0x7: {  	s5 =	sadd.s32 $0x600, s0;
	s2 =	sand.u32 $0x1, s2;
	s4 =	sadd.s32 $0x5C200, s0  }
0x8: {  	s6 =	sadd.s32 $0x1F000, s0;
	s8 =	sshll.u32 s9, $0x1;
	s22 =	smul.u32 $0xF428, s9  }
0x9: {  	_ =	strace $0x80000047;
	s7 =	ssub.s32 $0x2, s2;
	s19 =	sor.u32 s2, s8  }
0xa: {  	s2 =	smul.u32 $0xF4280, s2;
	s18 =	sshrl.u32 s7, $0x1;
	s20 =	sshll.u32 s19, $0x6  }
0xb: {  	s10 =	sshll.u32 s19, $0x4;
	s13 =	sshll.u32 s19, $0x7;
	s24 =	sadd.s32 $0xF428, s22  }
0xc: {  	s0 =	ssub.s32 s7, s18;
	s7 =	sadd.s32 s11, s20;
	s21 =	sor.u32 s10, s13  }
0xd: {  	s8 =	sadd.s32 s12, s20;
	s9 =	sadd.s32 s1, s20;
	s25 =	sadd.s32 s22, s2  }
0xe: {  	s14 =	sand.u32 $0x70, s10;
	v1 =	vmov s24;
	s24 =	simm.s32 $0x180F0;
	s23 =	sand.u32 $0xC70, s21  }
0xf: {  	s11 =	sshrl.u32 s25, $0x3;
	s26 =	sor.u32 s13, s14;
	s21 =	smax.u32 s0, $0x1  }
0x10: {  	s25 =	simm.s32 $0x18100;
	s0 =	simm.s32 $0x0;
	s1 =	sshrl.u32 s23, $0x3  }
0x11: {  	s11 =	sadd.s32 s6, s11;
	s23 =	simm.s32 $0x17480;
	s10 =	sadd.s32 s4, s1  }
0x12: {  	s1 =	sshrl.u32 s26, $0x3;
	s26 =	simm.s32 $0x1;
	s12 =	sadd.s32 $0x10, s10  }
0x13: {  	s13 =	sadd.s32 $0x20, s10;
	s14 =	sadd.s32 $0x30, s10;
	s15 =	sadd.s32 $0x40, s10  }
0x14: {  	v3 =	vimm.s32 $0xFFFFFF81;
	s16 =	sadd.s32 $0x50, s10;
	s1 =	sor.u32 $0x70, s1;
	s17 =	sadd.s32 $0x60, s10  }
0x15: {  	v4 =	vimm.f32 $0.0e+00;
	v0 =	vmov s22;
	v2 =	vmov s2;
	s19 =	sadd.s32 $0x200, s10;
	s20 =	sadd.s32 $0x210, s10;
	s18 =	sadd.s32 s4, s1  }
.LBB2_1:
0x16: {  	s1 =	rddreg [dreg:$0x3]  }
0x17: {  	[tilespmem:s3], [sflag:$0x1] =	stream.linear.gather [hbm4b:s1+s3], $0x4000, $0x38;
	[tilespmem:$0x18180] =	vst v63  }
0x18: {  	s22 =	rddreg [dreg:$0x0];
	s2 =	simm.s32 $0x4000  }
0x19: {  	[tilespmem:s2], [sflag:$0x1] =	stream.linear.gather [hbm4b:s22+s3], $0x4000, $0x38;
	[tilespmem:$0x18180] =	vst v63  }
0x1a: {  	_ = 	snop  }
0x1b: {  	[tilespmem:s23], [sflag:$0x1] =	stream.linear.gather [hbm4b:s7+s3], $0x200, $0x38;
	[tilespmem:$0x18180] =	vst v63  }
0x1c: {  	s4 =	simm.s32 $0x17C80  }
0x1d: {  	[tilespmem:s4], [sflag:$0x1] =	stream.linear.gather [hbm4b:s8+s3], $0x200, $0x38;
	[tilespmem:$0x18180] =	vst v63  }
0x1e: {  	s22 =	simm.s32 $0x17E80  }
0x1f: {  	[tilespmem:s22], [sflag:$0x1] =	stream.linear.gather [hbm4b:s9+s3], $0x200, $0x38;
	[tilespmem:$0x18180] =	vst v63  }
0x20: {  	_ =	swait.ge [sflag:s26], $0x4000  }
0x21: {  	[sflag:s26] =	ssyncset.done $0x0  }
0x22: {  	[sflag:s26] =	ssyncadd.s32 $0xFFFFC000  }
0x23: {  	_ =	swait.ge [sflag:s26], $0x4000  }
0x24: {  	[sflag:s26] =	ssyncset.done $0x0  }
0x25: {  	s1 =	simm.s32 $0x40;
	s2 =	simm.s32 $0x0;
	[sflag:s26] =	ssyncadd.s32 $0xFFFFC000  }
.LBB2_2:
0x26: {  	p0 =	sne.s32 s1, $0xFFC0;
	v5 =	vld [tilespmem:s2+$0x0];
	_ =	sdelay $0x4  }
0x27: {  	v6 =	vld [tilespmem:s2+$0x4000];
	vm0 =	vge.s32 v5, v0;
	vm1 =	vlt.s32 v5, v1  }
0x28: {  	vm0 =	vmand vm0, vm1  }
0x29: {  	v5 =	vsub.s32 v5, v0  }
.Ltmp0:
0x2a: {  	(pc) =	sbr.rel @p0 .LBB2_2-.Ltmp0, $3  }
0x2b: {  	_ = 	snop  }
0x2c: {  	v6 =	vmul.f32 $8.999999760e-01, v6;
	_ =	sdelay $0x1  }
0x2d: {  	s2 =	sshra.s32 s1, $0x2;
	s1 =	sadd.s32 $0x40, s1;
	[tilespmem:v5+s28+$0x0] =	vst.idx.msk vm0, v6  }
0x2e: {  	v5 =	vld [tilespmem:s2+$0x0];
	_ =	sdelay $0x4  }
0x2f: {  	v6 =	vld [tilespmem:s2+$0x4000];
	vm0 =	vge.s32 v5, v0;
	vm1 =	vlt.s32 v5, v1  }
0x30: {  	vm0 =	vmand vm0, vm1  }
0x31: {  	v5 =	vsub.s32 v5, v0;
	_ =	sdelay $0x2  }
0x32: {  	v6 =	vmul.f32 $8.999999760e-01, v6;
	_ =	sdelay $0x1  }
0x33: {  	s1 =	simm.s32 $0x0;
	[tilespmem:v5+s28+$0x0] =	vst.idx.msk vm0, v6  }
0x34: {  	[hbm4b:s11+s1] =	stream.linear.scatter [tilespmem:s28], [sflag:$0x2], $0xF428, $0x38;
	[tilespmem:$0x18180] =	vst v63  }
0x35: {  	_ =	swait.ge [sflag:s29], $0xF428  }
0x36: {  	[sflag:s29] =	ssyncset.done $0x0  }
0x37: {  	[sflag:s29] =	ssyncadd.s32 $0xFFFF0BD8  }
0x38: {  	[bflag:$0x0] =	sbarrier.arrive $0xFFFF  }
0x39: {  	_ =	swait.ge [sflag:s26], $0x200  }
0x3a: {  	[sflag:s26] =	ssyncset.done $0x0  }
0x3b: {  	[sflag:s26] =	ssyncadd.s32 $0xFFFFFE00  }
0x3c: {  	_ =	swait.ge [sflag:s26], $0x200  }
0x3d: {  	[sflag:s26] =	ssyncset.done $0x0  }
0x3e: {  	[sflag:s26] =	ssyncadd.s32 $0xFFFFFE00  }
0x3f: {  	_ =	swait.ge [sflag:s26], $0x200  }
0x40: {  	[sflag:s26] =	ssyncset.done $0x0  }
0x41: {  	s1 =	simm.s32 $0x0;
	[sflag:s26] =	ssyncadd.s32 $0xFFFFFE00  }
0x42: {  	s2 =	simm.s32 $0x40;
	v5 =	vld [tilespmem:s1+$0x17480]  }
.LBB2_4:
0x43: {  	p0 =	sne.s32 s2, $0x7C0  }
.Ltmp1:
0x44: {  	_ = 	snop;
	(pc) =	sbr.rel @p0 .LBB2_4-.Ltmp1, $3  }
0x45: {  	_ =	sdelay $0x1  }
0x46: {  	s4 =	sshra.s32 s2, $0x2;
	s2 =	sadd.s32 $0x40, s2;
	v6 =	vadd.s32 v2, v5  }
0x47: {  	v5 =	vld [tilespmem:s4+$0x17480];
	[tilespmem:s1+$0x17680] =	vst v6;
	s1 =	smov.u32 s4  }
0x48: {  	_ =	sdelay $0x3  }
0x49: {  	v5 =	vadd.s32 v2, v5  }
0x4a: {  	s22 =	simm.s32 $0x17680;
	s2 =	simm.s32 $0x17880;
	[tilespmem:s1+$0x17680] =	vst v5  }
0x4b: {  	[tilespmem:s2], [sflag:$0x1] =	stream.indirect.gather [hbm4b:s6+s30], $0x1, s22, s30, $0xb8;
	[tilespmem:$0x18180] =	vst v63  }
0x4c: {  	s2 =	simm.s32 $0x17A80  }
0x4d: {  	[tilespmem:s2], [sflag:$0x1] =	stream.indirect.gather [hbm4b:s5+s30], $0x1, s23, s30, $0xb8;
	[tilespmem:$0x18180] =	vst v63  }
0x4e: {  	s4 =	simm.s32 $0x17700;
	s22 =	simm.s32 $0x17900  }
0x4f: {  	[tilespmem:s22], [sflag:$0x1] =	stream.indirect.gather [hbm4b:s6+s30], $0x1, s4, s30, $0xb8;
	[tilespmem:$0x18180] =	vst v63  }
0x50: {  	s4 =	simm.s32 $0x17500;
	s22 =	simm.s32 $0x17B00  }
0x51: {  	[tilespmem:s22], [sflag:$0x1] =	stream.indirect.gather [hbm4b:s5+s30], $0x1, s4, s30, $0xb8;
	[tilespmem:$0x18180] =	vst v63  }
0x52: {  	s4 =	simm.s32 $0x17780;
	s22 =	simm.s32 $0x17980  }
0x53: {  	[tilespmem:s22], [sflag:$0x1] =	stream.indirect.gather [hbm4b:s6+s30], $0x1, s4, s30, $0xb8;
	[tilespmem:$0x18180] =	vst v63  }
0x54: {  	s4 =	simm.s32 $0x17580;
	s22 =	simm.s32 $0x17B80  }
0x55: {  	[tilespmem:s22], [sflag:$0x1] =	stream.indirect.gather [hbm4b:s5+s30], $0x1, s4, s30, $0xb8;
	[tilespmem:$0x18180] =	vst v63  }
0x56: {  	s4 =	simm.s32 $0x17800;
	s22 =	simm.s32 $0x17A00  }
0x57: {  	[tilespmem:s22], [sflag:$0x1] =	stream.indirect.gather [hbm4b:s6+s30], $0x1, s4, s30, $0xb8;
	[tilespmem:$0x18180] =	vst v63  }
0x58: {  	s4 =	simm.s32 $0x17600;
	s22 =	simm.s32 $0x17C00  }
0x59: {  	[tilespmem:s22], [sflag:$0x1] =	stream.indirect.gather [hbm4b:s5+s30], $0x1, s4, s30, $0xb8;
	[tilespmem:$0x18180] =	vst v63  }
0x5a: {  	_ =	swait.ge [sflag:s26], $0x80  }
0x5b: {  	[sflag:s26] =	ssyncset.done $0x0  }
0x5c: {  	[sflag:s26] =	ssyncadd.s32 $0xFFFFFF80  }
0x5d: {  	_ =	swait.ge [sflag:s26], $0x80  }
0x5e: {  	[sflag:s26] =	ssyncset.done $0x0  }
0x5f: {  	[sflag:s26] =	ssyncadd.s32 $0xFFFFFF80  }
0x60: {  	_ =	swait.ge [sflag:s26], $0x80  }
0x61: {  	[sflag:s26] =	ssyncset.done $0x0  }
0x62: {  	[sflag:s26] =	ssyncadd.s32 $0xFFFFFF80  }
0x63: {  	_ =	swait.ge [sflag:s26], $0x80  }
0x64: {  	[sflag:s26] =	ssyncset.done $0x0  }
0x65: {  	[sflag:s26] =	ssyncadd.s32 $0xFFFFFF80  }
0x66: {  	_ =	swait.ge [sflag:s26], $0x80  }
0x67: {  	[sflag:s26] =	ssyncset.done $0x0  }
0x68: {  	[sflag:s26] =	ssyncadd.s32 $0xFFFFFF80  }
0x69: {  	_ =	swait.ge [sflag:s26], $0x80  }
0x6a: {  	[sflag:s26] =	ssyncset.done $0x0  }
0x6b: {  	[sflag:s26] =	ssyncadd.s32 $0xFFFFFF80  }
0x6c: {  	_ =	swait.ge [sflag:s26], $0x80  }
0x6d: {  	[sflag:s26] =	ssyncset.done $0x0  }
0x6e: {  	[sflag:s26] =	ssyncadd.s32 $0xFFFFFF80  }
0x6f: {  	_ =	swait.ge [sflag:s26], $0x80  }
0x70: {  	[sflag:s26] =	ssyncset.done $0x0  }
0x71: {  	s2 =	simm.s32 $0x0;
	[sflag:s26] =	ssyncadd.s32 $0xFFFFFF80  }
0x72: {  	v5 =	vld [tilespmem:s2+$0x17A80];
	_ =	sdelay $0x1  }
0x73: {  	v6 =	vld [tilespmem:s2+$0x17880];
	_ =	sdelay $0x2  }
0x74: {  	v5 =	vmul.f32 $1.000000010e-01, v5;
	_ =	sdelay $0x1  }
0x75: {  	v5 =	vadd.f32 v5, v6;
	_ =	sdelay $0x1  }
0x76: {  	v6 =	vand.u32 $0x7FFFFF, v5  }
0x77: {  	v6 =	vor.u32 $0x3F800000, v6  }
0x78: {  	v7 =	vmul.f32 $5.000000000e-01, v6  }
0x79: {  	vm0 =	vgt.f32 v6, $1.414213540e+00  }
0x7a: {  	v6 =	vsel vm0, v7, v6  }
0x7b: {  	v7 =	vadd.f32 $1.000000000e+00, v6  }
0x7c: {  	s22 =	simm.s32 $0x10;
	(erf) = vrcp.f32 v5  }
0x7d: {  	(erf) = vrcp.f32 v7;
	v7 =	vld [tilespmem:s22+$0x17A80];
	_ =	sdelay $0x3  }
0x7e: {  	v8 =	vld [tilespmem:s22+$0x17880]  }
0x7f: {  	v7 =	vmul.f32 $1.000000010e-01, v7;
	_ =	sdelay $0x2  }
0x80: {  	v6 =	vadd.f32 $-1.000000000e+00, v6;
	v9 =	vpop (erf)  }
0x81: {  	v8 =	vadd.f32 v7, v8;
	v7 =	vpop (erf)  }
0x82: {  	v6 =	vmul.f32 v7, v6;
	_ =	sdelay $0x1  }
0x83: {  	v12 =	vld [tilespmem:s2+$0x17E80];
	v7 =	vand.u32 $0x7FFFFF, v8;
	v10 =	vmul.f32 v6, v6  }
0x84: {  	v7 =	vor.u32 $0x3F800000, v7  }
0x85: {  	v11 =	vmul.f32 $5.000000000e-01, v7;
	v13 =	vmul.f32 $2.222222240e-01, v10  }
0x86: {  	vm1 =	vgt.f32 v7, $1.414213540e+00  }
0x87: {  	s4 =	simm.s32 $0x20;
	v14 =	vld [tilespmem:s22+$0x17E80];
	v11 =	vsel vm1, v11, v7;
	v13 =	vadd.f32 $2.857142980e-01, v13  }
0x88: {  	vm2 =	veq.s32 v12, $0x1;
	vm3 =	veq.s32 v12, $0x0;
	v12 =	vld [tilespmem:s4+$0x17A80];
	v7 =	vadd.f32 $1.000000000e+00, v11  }
0x89: {  	(erf) = vrcp.f32 v8;
	v13 =	vmul.f32 v13, v10  }
0x8a: {  	v5 =	vshrl.u32 v5, $0x17;
	v15 =	vsel vm0, $0xFFFFFF82, v3;
	(erf) = vrcp.f32 v7  }
0x8b: {  	v5 =	vadd.s32 v5, v15;
	v15 =	vld [tilespmem:s4+$0x17880];
	v13 =	vadd.f32 $4.000000060e-01, v13  }
0x8c: {  	v22 =	vsel vm2, $0x3F800000, v4  }
0x8d: {  	vm2 =	veq.s32 v14, $0x1;
	v12 =	vmul.f32 $1.000000010e-01, v12;
	v13 =	vmul.f32 v13, v10  }
0x8e: {  	vm0 =	vmmov vm3;
	v18 =	vsel vm1, $0xFFFFFF82, v3;
	vm1 =	veq.s32 v14, $0x0;
	v14 =	vld [tilespmem:s4+$0x17E80]  }
0x8f: {  	v17 =	vcvt.s32.f32 v5;
	v5 =	vsel vm2, $0x3F800000, v4;
	v13 =	vadd.f32 $6.666666860e-01, v13  }
0x90: {  	vm0 =	vmmov vm0;
	v12 =	vadd.f32 v12, v15;
	v8 =	vshrl.u32 v8, $0x17  }
0x91: {  	v8 =	vadd.s32 v8, v18;
	v7 =	vimm.f32 $0.0e+00;
	v10 =	vmul.f32 v13, v10  }
0x92: {  	v11 =	vadd.f32 $-1.000000000e+00, v11;
	v23 =	vcvt.s32.f32 v8;
	v16 =	vadd.f32 v22, v7;
	v21 =	vpop (erf)  }
0x93: {  	vm2 =	veq.s32 v14, $0x1;
	v13 =	vpop (erf);
	v8 =	vadd.f32 $2.000000000e+00, v10;
	v10 =	vand.u32 $0x7FFFFF, v12  }
0x94: {  	v19 =	vmul.f32 v13, v11;
	v11 =	vmul.f32 $6.931471820e-01, v17;
	v10 =	vor.u32 $0x3F800000, v10;
	v13 =	vld [tilespmem:s2+$0x17C80]  }
0x95: {  	v15 =	vadd.f32 v5, v16;
	v8 =	vmul.f32 v8, v6;
	v16 =	vmul.f32 $5.000000000e-01, v10  }
0x96: {  	v6 =	vsel vm2, $0x3F800000, v4;
	vm2 =	vgt.f32 v10, $1.414213540e+00;
	v17 =	vmul.f32 v19, v19  }
0x97: {  	(erf) = vrcp.f32 v12;
	v8 =	vadd.f32 v8, v11;
	v20 =	vsel vm2, v16, v10  }
0x98: {  	v10 =	vshrl.u32 v12, $0x17;
	v11 =	vsel vm2, $0xFFFFFF82, v3;
	v18 =	vmul.f32 $2.222222240e-01, v17  }
0x99: {  	v12 =	vadd.f32 $1.000000000e+00, v20;
	v8 =	vmul.f32 $1.000000010e-01, v8;
	v27 =	vmul.f32 v9, v13  }
0x9a: {  	v24 =	vsel vm0, $0x3F800000, v4;
	v10 =	vadd.s32 v10, v11  }
0x9b: {  	v16 =	vadd.f32 $2.857142980e-01, v18;
	(erf) = vrcp.f32 v12;
	v11 =	vmul.f32 v8, v27  }
0x9c: {  	s1 =	simm.s32 $0x30;
	vm1 =	vmmov vm1;
	v25 =	vmul.f32 v8, v24;
	v13 =	vmul.f32 v8, v8  }
0x9d: {  	vm3 =	veq.s32 v14, $0x0;
	v14 =	vld [tilespmem:s1+$0x17A80];
	v8 =	vmul.f32 v8, v22;
	v9 =	vmul.f32 v16, v17  }
0x9e: {  	v26 =	vld [tilespmem:s1+$0x17E80];
	vm0 =	vmmov vm3;
	vm2 =	vmmov vm1;
	v20 =	vadd.f32 $-1.000000000e+00, v20  }
0x9f: {  	v28 =	vld [tilespmem:s1+$0x17880];
	v30 =	vmul.f32 v13, v22;
	v18 =	vadd.f32 v8, v7;
	v12 =	vadd.f32 $4.000000060e-01, v9  }
0xa0: {  	v8 =	vmul.f32 v13, v24;
	v9 =	vadd.f32 v6, v15;
	v15 =	vmul.f32 v11, v22  }
0xa1: {  	v11 =	vmul.f32 v11, v24;
	v13 =	vadd.f32 v30, v7;
	v29 =	vmul.f32 v12, v17  }
0xa2: {  	v30 =	vmul.f32 $1.000000010e-01, v14;
	v14 =	vadd.f32 v8, v7;
	v16 =	vadd.f32 v15, v7  }
0xa3: {  	vm1 =	veq.s32 v26, $0x1;
	v12 =	vadd.f32 v11, v7;
	v29 =	vadd.f32 $6.666666860e-01, v29  }
0xa4: {  	v15 =	vcvt.s32.f32 v10;
	v11 =	vadd.f32 v25, v7;
	v10 =	vpop (erf);
	v25 =	vadd.f32 v30, v28  }
0xa5: {  	v8 =	vsel vm1, $0x3F800000, v4;
	vm1 =	veq.s32 v26, $0x0;
	v30 =	vld [tilespmem:s22+$0x17C80];
	v26 =	vpop (erf);
	v17 =	vmul.f32 v29, v17  }
0xa6: {  	v28 =	vand.u32 $0x7FFFFF, v25;
	(erf) = vrcp.f32 v25;
	v20 =	vmul.f32 v26, v20  }
0xa7: {  	v29 =	vmul.f32 $6.931471820e-01, v23;
	v28 =	vor.u32 $0x3F800000, v28;
	v26 =	vadd.f32 $2.000000000e+00, v17  }
0xa8: {  	v31 =	vshrl.u32 v25, $0x17;
	v25 =	vmul.f32 $5.000000000e-01, v28;
	v23 =	vmul.f32 v20, v20  }
0xa9: {  	v17 =	vadd.f32 v24, v7;
	v24 =	vmul.f32 v27, v24;
	v19 =	vmul.f32 v26, v19  }
0xaa: {  	vm3 =	vgt.f32 v28, $1.414213540e+00;
	v21 =	vmul.f32 v21, v30;
	v26 =	vmul.f32 $2.222222240e-01, v23  }
0xab: {  	v27 =	vmul.f32 v27, v22;
	v25 =	vsel vm3, v25, v28;
	v29 =	vadd.f32 v19, v29  }
0xac: {  	v22 =	vsel vm2, $0x3F800000, v4;
	v32 =	vadd.f32 $1.000000000e+00, v25;
	v33 =	vadd.f32 $2.857142980e-01, v26  }
0xad: {  	v28 =	vsel vm3, $0xFFFFFF82, v3;
	v19 =	vadd.f32 v24, v7;
	v26 =	vmul.f32 $1.000000010e-01, v29  }
0xae: {  	s2 =	simm.s32 $0x100;
	v24 =	vadd.s32 v31, v28;
	(erf) = vrcp.f32 v32;
	v28 =	vmul.f32 v33, v23  }
.LBB2_6:
0xaf: {  	v29 =	vmul.f32 v26, v21;
	v30 =	vmul.f32 v26, v22  }
0xb0: {  	s22 =	sshra.s32 s2, $0x2;
	p0 =	sne.s32 s2, $0x7C0;
	s2 =	sadd.s32 $0x40, s2;
	v7 =	vadd.f32 v27, v7;
	v31 =	vmovc v8;
	vm2 =	vmmov vm0;
	vm0 =	vmmov vm1  }
0xb1: {  	v8 =	vld [tilespmem:s22+$0x17A80];
	v32 =	vpop (erf);
	v27 =	vadd.f32 $4.000000060e-01, v28;
	v28 =	vmul.f32 v26, v26;
	v26 =	vmul.f32 v26, v5  }
0xb2: {  	v9 =	vadd.f32 v31, v9;
	v33 =	vld [tilespmem:s22+$0x17E80];
	v34 =	vmul.f32 v29, v5;
	v29 =	vmul.f32 v29, v22  }
0xb3: {  	v35 =	vld [tilespmem:s22+$0x17880];
	v27 =	vmul.f32 v27, v23;
	v36 =	vmul.f32 v28, v5;
	v18 =	vadd.f32 v26, v18  }
0xb4: {  	v26 =	vmul.f32 v28, v22;
	v16 =	vadd.f32 v34, v16;
	v12 =	vadd.f32 v29, v12  }
0xb5: {  	v24 =	vcvt.s32.f32 v24;
	v28 =	vadd.f32 $6.666666860e-01, v27;
	v13 =	vadd.f32 v36, v13  }
0xb6: {  	v11 =	vadd.f32 v30, v11;
	v14 =	vadd.f32 v26, v14;
	v8 =	vmul.f32 $1.000000010e-01, v8  }
0xb7: {  	v25 =	vadd.f32 $-1.000000000e+00, v25;
	vm1 =	veq.s32 v33, $0x1;
	v23 =	vmul.f32 v28, v23  }
0xb8: {  	v26 =	vadd.f32 v8, v35;
	v8 =	vsel vm1, $0x3F800000, v4;
	vm1 =	veq.s32 v33, $0x0;
	v27 =	vpop (erf)  }
0xb9: {  	v17 =	vadd.f32 v22, v17;
	v25 =	vmul.f32 v27, v25;
	v27 =	vadd.f32 $2.000000000e+00, v23  }
0xba: {  	v28 =	vmul.f32 $6.931471820e-01, v15;
	v15 =	vmovc v24;
	v23 =	vand.u32 $0x7FFFFF, v26;
	(erf) = vrcp.f32 v26  }
0xbb: {  	v24 =	vor.u32 $0x3F800000, v23;
	v23 =	vmul.f32 v25, v25;
	v29 =	vld [tilespmem:s4+$0x17C80];
	v27 =	vmul.f32 v27, v20;
	v20 =	vmovc v25;
	s4 =	smov.u32 s1;
	s1 =	smov.u32 s22  }
0xbc: {  	v22 =	vmul.f32 v21, v22;
	v30 =	vshrl.u32 v26, $0x17;
	v25 =	vmul.f32 $5.000000000e-01, v24  }
.Ltmp2:
0xbd: {  	vm3 =	vgt.f32 v24, $1.414213540e+00;
	v26 =	vmul.f32 $2.222222240e-01, v23;
	v27 =	vadd.f32 v27, v28;
	(pc) =	sbr.rel @p0 .LBB2_6-.Ltmp2, $4  }
0xbe: {  	v19 =	vadd.f32 v22, v19;
	v25 =	vsel vm3, v25, v24;
	v24 =	vsel vm3, $0xFFFFFF82, v3  }
0xbf: {  	v22 =	vadd.f32 $1.000000000e+00, v25;
	v28 =	vadd.f32 $2.857142980e-01, v26;
	v26 =	vmul.f32 $1.000000010e-01, v27  }
0xc0: {  	v24 =	vadd.s32 v30, v24;
	v27 =	vmul.f32 v21, v5;
	v21 =	vmul.f32 v10, v29;
	v10 =	vmovc v32  }
0xc1: {  	v5 =	vmovc v6;
	v6 =	vmovc v31;
	(erf) = vrcp.f32 v22;
	v28 =	vmul.f32 v28, v23;
	v22 =	vsel vm2, $0x3F800000, v4  }
0xc2: {  	_ =	sdelay $0x6  }
0xc3: {  	v25 =	vadd.f32 $-1.000000000e+00, v25;
	v29 =	vpop (erf)  }
0xc4: {  	v30 =	vpop (erf)  }
0xc5: {  	v25 =	vmul.f32 v30, v25;
	_ =	sdelay $0x1  }
0xc6: {  	v28 =	vadd.f32 $4.000000060e-01, v28;
	v30 =	vmul.f32 v25, v25;
	_ =	sdelay $0x1  }
0xc7: {  	v28 =	vmul.f32 v28, v23;
	v31 =	vmul.f32 $2.222222240e-01, v30  }
0xc8: {  	v32 =	vmul.f32 v26, v21;
	v33 =	vmul.f32 v26, v22;
	v7 =	vadd.f32 v27, v7  }
0xc9: {  	v60 =	vmul.f32 v26, v26;
	v28 =	vadd.f32 $6.666666860e-01, v28;
	v31 =	vadd.f32 $2.857142980e-01, v31  }
0xca: {  	vm2 =	vmmov vm0;
	v61 =	vmul.f32 v26, v5;
	vm15 =	vmmov vm1  }
0xcb: {  	v9 =	vadd.f32 v8, v9;
	v62 =	vmul.f32 v28, v23;
	v31 =	vmul.f32 v31, v30  }
0xcc: {  	v15 =	vmul.f32 $6.931471820e-01, v15;
	v24 =	vcvt.s32.f32 v24;
	v17 =	vadd.f32 v22, v17  }
0xcd: {  	v35 =	vld [tilespmem:s4+$0x17C80];
	v38 =	vmul.f32 v21, v22;
	v23 =	vadd.f32 $2.000000000e+00, v62;
	v31 =	vadd.f32 $4.000000060e-01, v31  }
0xce: {  	v42 =	vsel vm2, $0x3F800000, v4;
	v63 =	vmul.f32 v32, v5;
	v32 =	vmul.f32 v32, v22  }
0xcf: {  	v40 =	vld [tilespmem:s1+$0x17C80];
	vm0 =	vmmov vm15;
	v20 =	vmul.f32 v23, v20;
	v31 =	vmul.f32 v31, v30  }
0xd0: {  	v18 =	vadd.f32 v61, v18;
	v34 =	vmul.f32 v60, v5;
	v36 =	vmul.f32 v60, v22  }
0xd1: {  	v41 =	vmul.f32 $6.931471820e-01, v24;
	v15 =	vadd.f32 v20, v15;
	v31 =	vadd.f32 $6.666666860e-01, v31  }
0xd2: {  	v11 =	vadd.f32 v33, v11;
	v5 =	vmul.f32 v21, v5;
	v10 =	vmul.f32 v10, v35  }
0xd3: {  	v19 =	vadd.f32 v38, v19;
	v15 =	vmul.f32 $1.000000010e-01, v15;
	v37 =	vmul.f32 v31, v30  }
0xd4: {  	v17 =	vadd.f32 v42, v17;
	v16 =	vadd.f32 v63, v16;
	v48 =	vmul.f32 v29, v40  }
0xd5: {  	v43 =	vmul.f32 v15, v10;
	v44 =	vmul.f32 v15, v42;
	v39 =	vadd.f32 $2.000000000e+00, v37  }
0xd6: {  	v12 =	vadd.f32 v32, v12;
	v45 =	vmul.f32 v15, v15;
	v15 =	vmul.f32 v15, v6  }
0xd7: {  	v13 =	vadd.f32 v34, v13;
	v46 =	vmul.f32 v43, v6;
	v23 =	vmul.f32 v39, v25  }
0xd8: {  	v5 =	vadd.f32 v5, v7;
	v49 =	vmul.f32 v45, v6;
	v6 =	vmul.f32 v10, v6  }
0xd9: {  	v52 =	vsel vm0, $0x3F800000, v4;
	v14 =	vadd.f32 v36, v14;
	v22 =	vadd.f32 v23, v41  }
0xda: {  	v55 =	vmul.f32 v48, v8;
	v57 =	vmul.f32 v48, v52;
	v5 =	vadd.f32 v6, v5  }
0xdb: {  	v17 =	vadd.f32 v52, v17;
	v10 =	vmul.f32 v10, v42;
	v7 =	vmul.f32 $1.000000010e-01, v22  }
0xdc: {  	v47 =	vmul.f32 v43, v42;
	v51 =	vmul.f32 v45, v42;
	v5 =	vadd.f32 v55, v5  }
0xdd: {  	v56 =	vadd.f32 v10, v19;
	v50 =	vmul.f32 v7, v48;
	v54 =	vmul.f32 v7, v7  }
0xde: {  	[tilespmem:$0x180C0] =	vst v5;
	v5 =	vadd.f32 v44, v11;
	v61 =	vmul.f32 v7, v8;
	v7 =	vmul.f32 v7, v52  }
0xdf: {  	[tilespmem:$0x18080] =	vst v9;
	v12 =	vadd.f32 v47, v12;
	v9 =	vadd.f32 v57, v56;
	v6 =	vmul.f32 v50, v52  }
0xe0: {  	[tilespmem:$0x18090] =	vst v17;
	v16 =	vadd.f32 v46, v16;
	v53 =	vmul.f32 v50, v8;
	v5 =	vadd.f32 v7, v5  }
0xe1: {  	v58 =	vadd.f32 v49, v13;
	[tilespmem:$0x180D0] =	vst v9;
	v59 =	vmul.f32 v54, v8;
	v6 =	vadd.f32 v6, v12  }
0xe2: {  	v14 =	vadd.f32 v51, v14;
	v60 =	vmul.f32 v54, v52;
	v16 =	vadd.f32 v53, v16;
	[tilespmem:$0x18110] =	vst v5  }
0xe3: {  	v62 =	vadd.f32 v59, v58;
	[tilespmem:$0x180B0] =	vst v6;
	v6 =	vadd.f32 v15, v18  }
0xe4: {  	v63 =	vadd.f32 v60, v14;
	[tilespmem:$0x180A0] =	vst v16  }
0xe5: {  	[tilespmem:$0x180E0] =	vst v62;
	v6 =	vadd.f32 v61, v6  }
0xe6: {  	[tilespmem:$0x180F0] =	vst v63  }
0xe7: {  	s22 =	simm.s32 $0x18080;
	[tilespmem:$0x18100] =	vst v6  }
0xe8: {  	[hbm4b:s10+s3] =	stream.linear.scatter [tilespmem:s22], [sflag:$0x2], $0x10, $0x38;
	[tilespmem:$0x18180] =	vst v63  }
0xe9: {  	_ =	swait.ge [sflag:s29], $0x10  }
0xea: {  	[sflag:s29] =	ssyncset.done $0x0  }
0xeb: {  	s2 =	simm.s32 $0x18090;
	[sflag:s29] =	ssyncadd.s32 $0xFFFFFFF0  }
0xec: {  	[hbm4b:s12+s3] =	stream.linear.scatter [tilespmem:s2], [sflag:$0x2], $0x10, $0x38;
	[tilespmem:$0x18180] =	vst v63  }
0xed: {  	_ =	swait.ge [sflag:s29], $0x10  }
0xee: {  	[sflag:s29] =	ssyncset.done $0x0  }
0xef: {  	s4 =	simm.s32 $0x180A0;
	[sflag:s29] =	ssyncadd.s32 $0xFFFFFFF0  }
0xf0: {  	[hbm4b:s13+s3] =	stream.linear.scatter [tilespmem:s4], [sflag:$0x2], $0x10, $0x38;
	[tilespmem:$0x18180] =	vst v63  }
0xf1: {  	_ =	swait.ge [sflag:s29], $0x10  }
0xf2: {  	[sflag:s29] =	ssyncset.done $0x0  }
0xf3: {  	s22 =	simm.s32 $0x180B0;
	[sflag:s29] =	ssyncadd.s32 $0xFFFFFFF0  }
0xf4: {  	[hbm4b:s14+s3] =	stream.linear.scatter [tilespmem:s22], [sflag:$0x2], $0x10, $0x38;
	[tilespmem:$0x18180] =	vst v63  }
0xf5: {  	_ =	swait.ge [sflag:s29], $0x10  }
0xf6: {  	[sflag:s29] =	ssyncset.done $0x0  }
0xf7: {  	s2 =	simm.s32 $0x180C0;
	[sflag:s29] =	ssyncadd.s32 $0xFFFFFFF0  }
0xf8: {  	[hbm4b:s15+s3] =	stream.linear.scatter [tilespmem:s2], [sflag:$0x2], $0x10, $0x38;
	[tilespmem:$0x18180] =	vst v63  }
0xf9: {  	_ =	swait.ge [sflag:s29], $0x10  }
0xfa: {  	[sflag:s29] =	ssyncset.done $0x0  }
0xfb: {  	s4 =	simm.s32 $0x180D0;
	[sflag:s29] =	ssyncadd.s32 $0xFFFFFFF0  }
0xfc: {  	[hbm4b:s16+s3] =	stream.linear.scatter [tilespmem:s4], [sflag:$0x2], $0x10, $0x38;
	[tilespmem:$0x18180] =	vst v63  }
0xfd: {  	_ =	swait.ge [sflag:s29], $0x10  }
0xfe: {  	[sflag:s29] =	ssyncset.done $0x0  }
0xff: {  	s22 =	simm.s32 $0x180E0;
	[sflag:s29] =	ssyncadd.s32 $0xFFFFFFF0  }
0x100: {  	[hbm4b:s17+s3] =	stream.linear.scatter [tilespmem:s22], [sflag:$0x2], $0x10, $0x38;
	[tilespmem:$0x18180] =	vst v63  }
0x101: {  	_ =	swait.ge [sflag:s29], $0x10  }
0x102: {  	[sflag:s29] =	ssyncset.done $0x0  }
0x103: {  	[sflag:s29] =	ssyncadd.s32 $0xFFFFFFF0  }
0x104: {  	[hbm4b:s18+s3] =	stream.linear.scatter [tilespmem:s24], [sflag:$0x2], $0x10, $0x38;
	[tilespmem:$0x18180] =	vst v63  }
0x105: {  	_ =	swait.ge [sflag:s29], $0x10  }
0x106: {  	[sflag:s29] =	ssyncset.done $0x0  }
0x107: {  	[sflag:s29] =	ssyncadd.s32 $0xFFFFFFF0  }
0x108: {  	[hbm4b:s19+s3] =	stream.linear.scatter [tilespmem:s25], [sflag:$0x2], $0x10, $0x38;
	[tilespmem:$0x18180] =	vst v63  }
0x109: {  	s0 =	sadd.s32 $0x1, s0;
	_ =	swait.ge [sflag:s29], $0x10  }
0x10a: {  	p0 =	sne.s32 s0, s21;
	[sflag:s29] =	ssyncset.done $0x0  }
.Ltmp3:
0x10b: {  	[sflag:s29] =	ssyncadd.s32 $0xFFFFFFF0;
	(pc) =	sbr.rel @p0 .LBB2_1-.Ltmp3, $4  }
0x10c: {  	[hbm4b:s20+s3] =	stream.linear.scatter [tilespmem:s31], [sflag:$0x2], $0x10, $0x38;
	[tilespmem:$0x18180] =	vst v63  }
0x10d: {  	_ =	swait.ge [sflag:s29], $0x10  }
0x10e: {  	[sflag:s29] =	ssyncset.done $0x0  }
0x10f: {  	[sflag:s29] =	ssyncadd.s32 $0xFFFFFFF0  }
0x110: {  	_ =	sfence.sel $0x180000  }
0x111: {  	[bflag:$0x0] =	sbarrier.arrive $0xFFFF  }
0x112: {  	_ =	strace $0x90000047  }
0x113: {  	s0 =	stileid.u32;
	[bflag:$0x2] =	sbarrier.arrive $0xFFFF  }
0x114: {  	p0 =	sne.s32 s0, $0x0;
	s0 =	rddreg [dreg:$0x4]  }
0x115: {  	s0 =	sadd.s32 @!p0 $0x100000, s0  }
0x116: {  	[sflag:s0] =	ssyncadd.tile.s32 @!p0 $0x1;
	_ =	shalt  }
.Lfunc_end2:
_tile_overlayer_lowered:
.L_overlay_start_2:
0x117: {  	(tag) =	ssettag $0x2  }
0x118: {  	s0 =	rddreg [dreg:$0x0];
	s2 =	stileid.u32  }
0x119: {  	s1 =	rddreg [dreg:$0x1];
	p0 =	sne.s32 s2, $0x0  }
0x11a: {  	s3 =	rddreg [dreg:$0x2];
	[bflag:$0x3] =	sbarrier.arrive $0xFFFF;
	s2 =	simm.s32 @!p0 $0x1C02  }
0x11b: {  	[timem:s3], [sflag:s2] =	dma.local @!p0 [hbm:s0], s1  }
0x11c: {  	s0 =	simm.s32 @!p0 $0x2  }
0x11d: {  	_ =	swait.ge @!p0 [sflag:s0], s1  }
0x11e: {  	s1 =	ssub.s32 @!p0 $0x0, s1;
	[sflag:s0] =	ssyncset.done @!p0 $0x0  }
0x11f: {  	[sflag:s0] =	ssyncadd.s32 @!p0 s1  }
0x120: {  	[bflag:$0x3] =	sbarrier.arrive $0xFFFF  }
0x121: {  	_ =	shalt  }

</sc_bundles>
